<compile_context>
chip_gen: v7x
topology: tpu7x:2x2x1
jax: 0.10.2.dev20260603
libtpu: 0.0.44.dev20260713+nightly
codegen_flags: <defaults>
</compile_context>

<pallas_src>
import functools

import jax
import jax.numpy as jnp
import numpy as np
from jax import lax
from jax.experimental import pallas as pl
from jax.experimental.pallas import tpu as pltpu
from jax.experimental.pallas import tpu_sc as plsc

_DIAGONAL_OFFSET = 2

_B = 4
_UT_LEN = 130305
_D = 64
_ROW = _B * _D

_SEG = 128
_NFULL = _UT_LEN // _SEG
_LAST_BASE = _UT_LEN - _SEG
_NW = 32
_GPW = 32
_NIDX = 1024


def _reverse_perm(ut_len, diagonal_offset):
    seq_len = int(np.sqrt(2 * ut_len + 0.25) - 0.5) + diagonal_offset
    ut_indexes = np.triu_indices(seq_len, diagonal_offset)
    assert len(ut_indexes[0]) == ut_len
    mat_ut_indexes = np.zeros(shape=(seq_len, seq_len), dtype="int")
    mat_ut_indexes[ut_indexes] = np.arange(ut_len)
    mask_ut = np.zeros(shape=(seq_len, seq_len), dtype="bool")
    mask_ut[ut_indexes] = True
    mat_indexes = mat_ut_indexes + np.multiply(~mask_ut, mat_ut_indexes.T)
    mat_rc_indexes = mat_indexes[::-1, ::-1]
    return mat_rc_indexes[ut_indexes]


@functools.lru_cache(maxsize=None)
def _index_planes():
    perm = _reverse_perm(_UT_LEN, _DIAGONAL_OFFSET).astype(np.int32)
    iota = np.arange(_UT_LEN, dtype=np.int32)
    planes = np.zeros((2, _NIDX, _SEG), dtype=np.int32)
    for p, src in ((0, iota), (1, perm)):
        planes[p, :_NFULL] = src[: _NFULL * _SEG].reshape(_NFULL, _SEG)
        planes[p, _NFULL] = src[_LAST_BASE:]
    return planes


def _sc_body(x_hbm, idx_hbm, rev_hbm, out_hbm,
             idx_v, dst_v, rows0, rows1, rev_v, sem_a, sem_b, sem_st):
    nc = lax.axis_size("c")
    wid = lax.axis_index("s") * nc + lax.axis_index("c")

    pltpu.sync_copy(rev_hbm, rev_v)
    rev = rev_v[...][0]
    plane = jnp.where(rev != 0, 1, 0)

    base_g = wid * _GPW
    nt = jnp.minimum(_GPW, _NFULL - base_g)
    ntp = nt // 2

    pltpu.sync_copy(idx_hbm.at[plane, pl.ds(base_g, _GPW)], idx_v)

    def start_gather(t, buf, sem):
        return pltpu.async_copy(x_hbm.at[idx_v.at[t]], buf, sem)

    def wait_gather(t, buf, sem):
        pltpu.make_async_copy(x_hbm.at[idx_v.at[t]], buf, sem).wait()

    def fire_store(t, buf):
        pltpu.async_copy(buf, out_hbm.at[pl.ds((base_g + t) * _SEG, _SEG)],
                         sem_st)

    def drain_store():
        pltpu.make_async_copy(x_hbm.at[pl.ds(0, _SEG)], rows0, sem_st).wait()

    start_gather(0, rows0, sem_a)

    def pair_body(t2, carry):
        a = 2 * t2

        @pl.when(t2 > 0)
        def _():
            drain_store()

        start_gather(a + 1, rows1, sem_b)
        wait_gather(a, rows0, sem_a)
        fire_store(a, rows0)

        @pl.when(t2 + 1 < ntp)
        def _():
            drain_store()
            start_gather(a + 2, rows0, sem_a)

        wait_gather(a + 1, rows1, sem_b)
        fire_store(a + 1, rows1)
        return carry

    lax.fori_loop(0, ntp, pair_body, 0)
    drain_store()
    drain_store()

    @pl.when(wid == _NW - 1)
    def _():
        t_last = _NFULL - (_NW - 1) * _GPW
        dst_base = (_NFULL // 8) * 8
        pltpu.sync_copy(idx_hbm.at[0, pl.ds(dst_base, 8)], dst_v)
        pltpu.async_copy(x_hbm.at[idx_v.at[t_last]], rows0, sem_a).wait()
        pltpu.async_copy(rows0, out_hbm.at[dst_v.at[_NFULL - dst_base]],
                         sem_a).wait()


@jax.jit
def _sc_gather(xt, idx, rev_vec):
    call = pl.kernel(
        _sc_body,
        out_type=jax.ShapeDtypeStruct((_UT_LEN, _ROW), jnp.float32),
        mesh=plsc.VectorSubcoreMesh(core_axis_name="c", subcore_axis_name="s"),
        scratch_types=[
            pltpu.VMEM((_GPW, _SEG), jnp.int32),
            pltpu.VMEM((8, _SEG), jnp.int32),
            pltpu.VMEM((_SEG, _ROW), jnp.float32),
            pltpu.VMEM((_SEG, _ROW), jnp.float32),
            pltpu.VMEM((16,), jnp.int32),
            pltpu.SemaphoreType.DMA,
            pltpu.SemaphoreType.DMA,
            pltpu.SemaphoreType.DMA,
        ],
    )
    return call(xt, idx, rev_vec)


def kernel(x_ut, reverse):
    assert x_ut.shape == (_B, _UT_LEN, _D), x_ut.shape
    xt = jnp.transpose(x_ut, (1, 0, 2)).reshape(_UT_LEN, _ROW)
    idx = jnp.asarray(_index_planes())
    rev_vec = jnp.broadcast_to(jnp.asarray(reverse, jnp.int32), (16,))
    out = _sc_gather(xt, idx, rev_vec)
    return jnp.transpose(out.reshape(_UT_LEN, _B, _D), (1, 0, 2))

# --- scband reference (transcript-rebuilt; emitter-appended) ---
"""Pipeline reference for scband-switch-reverse-triu-23708219474558 (READ-ONLY COPY).

The authoritative reference and input builder live on the scoring server;
editing this copy changes nothing except your own understanding.
"""

import jax, jax.numpy as jnp
import numpy as np

DIAGONAL_OFFSET = 2


def _rc_ut_order(ut_len, diagonal_offset):
    seq_len = int(np.sqrt(2 * ut_len + 0.25) - 0.5)
    seq_len += diagonal_offset
    ut_indexes = np.triu_indices(seq_len, diagonal_offset)
    assert len(ut_indexes[0]) == ut_len
    mat_ut_indexes = np.zeros(shape=(seq_len, seq_len), dtype='int')
    mat_ut_indexes[ut_indexes] = np.arange(ut_len)
    mask_ut = np.zeros(shape=(seq_len, seq_len), dtype='bool')
    mask_ut[ut_indexes] = True
    mask_ld = ~mask_ut
    mat_indexes = mat_ut_indexes + np.multiply(mask_ld, mat_ut_indexes.T)
    mat_rc_indexes = mat_indexes[::-1, ::-1]
    rc_ut_order = mat_rc_indexes[ut_indexes]
    return rc_ut_order


def setup_inputs(seed: int = 0) -> dict:
    key = jax.random.key(seed)
    k1 = jax.random.fold_in(key, 1)
    # Akita-style contact-map head: seq_len=512, diagonal_offset=2 ->
    # ut_len = (512-2)*(512-1)/2 = 130305 flattened upper-triangle positions
    x_ut = jax.random.normal(k1, (4, 130305, 64), dtype=jnp.float32)
    reverse = jnp.ones((), dtype=bool)
    return {"x_ut": x_ut, "reverse": reverse}


def reference(x_ut, reverse):
    ut_len = x_ut.shape[1]
    rc_ut_order = jnp.asarray(_rc_ut_order(ut_len, DIAGONAL_OFFSET), dtype=jnp.int32)
    x_rc = jnp.take(x_ut, rc_ut_order, axis=1)
    return jnp.where(reverse, x_rc, x_ut)

if __name__ == "__main__":
    import jax
    _d = setup_inputs()
    print(jax.jit(kernel)(*tuple(_d.values())))

</pallas_src>

<mosaic_0001>
#map = affine_map<(d0, d1) -> (0, 0)>
#map1 = affine_map<(d0, d1) -> (0, 0, 0)>
#map2 = affine_map<(d0, d1) -> (0)>
module attributes {stable_mosaic.version = 14 : i64} {
  func.func @_sc_body(%arg0: i32, %arg1: i32, %arg2: memref<130305x256xf32, #tpu.memory_space<hbm>>, %arg3: memref<2x1024x128xi32, #tpu.memory_space<hbm>>, %arg4: memref<16xi32, #tpu.memory_space<hbm>>, %arg5: memref<130305x256xf32, #tpu.memory_space<hbm>>, %arg6: memref<32x128xi32, #tpu.memory_space<vmem>>, %arg7: memref<8x128xi32, #tpu.memory_space<vmem>>, %arg8: memref<128x256xf32, #tpu.memory_space<vmem>>, %arg9: memref<128x256xf32, #tpu.memory_space<vmem>>, %arg10: memref<16xi32, #tpu.memory_space<vmem>>, %arg11: memref<!tpu.dma_semaphore, #tpu.memory_space<semaphore_mem>>, %arg12: memref<!tpu.dma_semaphore, #tpu.memory_space<semaphore_mem>>, %arg13: memref<!tpu.dma_semaphore, #tpu.memory_space<semaphore_mem>>) attributes {dimension_semantics = [#tpu.dimension_semantics<core_parallel>, #tpu.dimension_semantics<subcore_parallel>], iteration_bounds = array<i64: 2, 16>, scalar_prefetch = 0 : i64, scratch_operands = 8 : i64, tpu.core_type = #tpu.core_type<sc_vector_subcore>, window_params = [{transform_indices = #map}, {transform_indices = #map1}, {transform_indices = #map2}, {transform_indices = #map}]} {
    %mul3A = arith.constant 2 : i32
    %mul3A_0 = arith.muli %arg1, %mul3A : i32
    %add3A = arith.addi %mul3A_0, %arg0 : i32
    "tpu.region"() ({
      %run_scoped3A = tpu.sem_alloc : memref<!tpu.dma_semaphore, #tpu.memory_space<semaphore_mem>>
      tpu.enqueue_dma source(%arg4 : memref<16xi32, #tpu.memory_space<hbm>>) target(%arg10 : memref<16xi32, #tpu.memory_space<vmem>>) target_semaphore(%run_scoped3A : memref<!tpu.dma_semaphore, #tpu.memory_space<semaphore_mem>>)
      tpu.wait_dma2 semaphore(%run_scoped3A : memref<!tpu.dma_semaphore, #tpu.memory_space<semaphore_mem>>) src(%arg4 : memref<16xi32, #tpu.memory_space<hbm>>) dst(%arg10 : memref<16xi32, #tpu.memory_space<vmem>>)
      tpu.yield
    }) : () -> ()
    %get3A = arith.constant 0 : index
    %get3A_1 = tpu.vector_load %arg10[%get3A] {strides = array<i32>} : memref<16xi32, #tpu.memory_space<vmem>>, vector<16xi32>,
    %get3A_2 = vector.shape_cast %get3A_1 : vector<16xi32> to vector<16xi32>
    %slice3A = vector.extract_strided_slice %get3A_2 {offsets = [0], sizes = [1], strides = [1]} : vector<16xi32> to vector<1xi32>
    %squeeze3A = vector.extract %slice3A[0] : i32 from vector<1xi32>
    %ne3A = arith.constant 0 : i32
    %ne3A_3 = arith.cmpi ne, %squeeze3A, %ne3A : i32
    %jit3A = arith.constant 1 : i32
    %jit3A_4 = arith.constant 0 : i32
    %select_n3A = arith.select %ne3A_3, %jit3A, %jit3A_4 : i32
    %mul3A_5 = arith.constant 32 : i32
    %mul3A_6 = arith.muli %add3A, %mul3A_5 : i32
    %sub3A = arith.constant 1018 : i32
    %sub3A_7 = arith.subi %sub3A, %mul3A_6 : i32
    %min3A = arith.constant 32 : i32
    %min3A_8 = arith.minsi %min3A, %sub3A_7 : i32
    %jit3A_9 = arith.constant 2 : i32
    %div3A = arith.divsi %min3A_8, %jit3A_9 : i32
    %sign3A = arith.constant 0 : i32
    %sign3A_10 = arith.cmpi sgt, %min3A_8, %sign3A : i32
    %sign3A_11 = arith.extui %sign3A_10 : i1 to i32
    %sign3A_12 = arith.constant 0 : i32
    %sign3A_13 = arith.cmpi slt, %min3A_8, %sign3A_12 : i32
    %sign3A_14 = arith.extui %sign3A_13 : i1 to i32
    %sign3A_15 = arith.subi %sign3A_11, %sign3A_14 : i32
    %sign3A_16 = arith.constant 0 : i32
    %sign3A_17 = arith.cmpi sgt, %jit3A_9, %sign3A_16 : i32
    %sign3A_18 = arith.extui %sign3A_17 : i1 to i32
    %sign3A_19 = arith.constant 0 : i32
    %sign3A_20 = arith.cmpi slt, %jit3A_9, %sign3A_19 : i32
    %sign3A_21 = arith.extui %sign3A_20 : i1 to i32
    %sign3A_22 = arith.subi %sign3A_18, %sign3A_21 : i32
    %ne3A_23 = arith.cmpi ne, %sign3A_15, %sign3A_22 : i32
    %rem3A = arith.remsi %min3A_8, %jit3A_9 : i32
    %ne3A_24 = arith.constant 0 : i32
    %ne3A_25 = arith.cmpi ne, %rem3A, %ne3A_24 : i32
    %and3A = arith.andi %ne3A_23, %ne3A_25 : i1
    %sub3A_26 = arith.constant 1 : i32
    %sub3A_27 = arith.subi %div3A, %sub3A_26 : i32
    %select_n3A_28 = arith.select %and3A, %sub3A_27, %div3A : i32
    "tpu.region"() ({
      %run_scoped3A = tpu.sem_alloc : memref<!tpu.dma_semaphore, #tpu.memory_space<semaphore_mem>>
      %dma_start3A_57 = arith.constant 0 : i32
      %dma_start3A_58 = tpu.memref_slice %arg3[%select_n3A, %mul3A_6, %dma_start3A_57] : memref<2x1024x128xi32, #tpu.memory_space<hbm>> -> memref<1x32x128xi32, #tpu.memory_space<hbm>>
      %dma_start3A_59 = tpu.memref_squeeze %dma_start3A_58 : memref<1x32x128xi32, #tpu.memory_space<hbm>> -> memref<32x128xi32, #tpu.memory_space<hbm>>
      %dma_start3A_60 = arith.constant 0 : i32
      %dma_start3A_61 = tpu.memref_slice %arg3[%select_n3A, %mul3A_6, %dma_start3A_60] : memref<2x1024x128xi32, #tpu.memory_space<hbm>> -> memref<1x32x128xi32, #tpu.memory_space<hbm>>
      %dma_start3A_62 = tpu.memref_squeeze %dma_start3A_61 : memref<1x32x128xi32, #tpu.memory_space<hbm>> -> memref<32x128xi32, #tpu.memory_space<hbm>>
      tpu.enqueue_dma source(%dma_start3A_62 : memref<32x128xi32, #tpu.memory_space<hbm>>) target(%arg6 : memref<32x128xi32, #tpu.memory_space<vmem>>) target_semaphore(%run_scoped3A : memref<!tpu.dma_semaphore, #tpu.memory_space<semaphore_mem>>)
      %dma_wait3A_63 = arith.constant 0 : i32
      %dma_wait3A_64 = tpu.memref_slice %arg3[%select_n3A, %mul3A_6, %dma_wait3A_63] : memref<2x1024x128xi32, #tpu.memory_space<hbm>> -> memref<1x32x128xi32, #tpu.memory_space<hbm>>
      %dma_wait3A_65 = tpu.memref_squeeze %dma_wait3A_64 : memref<1x32x128xi32, #tpu.memory_space<hbm>> -> memref<32x128xi32, #tpu.memory_space<hbm>>
      %dma_wait3A_66 = arith.constant 0 : i32
      %dma_wait3A_67 = tpu.memref_slice %arg3[%select_n3A, %mul3A_6, %dma_wait3A_66] : memref<2x1024x128xi32, #tpu.memory_space<hbm>> -> memref<1x32x128xi32, #tpu.memory_space<hbm>>
      %dma_wait3A_68 = tpu.memref_squeeze %dma_wait3A_67 : memref<1x32x128xi32, #tpu.memory_space<hbm>> -> memref<32x128xi32, #tpu.memory_space<hbm>>
      tpu.wait_dma2 semaphore(%run_scoped3A : memref<!tpu.dma_semaphore, #tpu.memory_space<semaphore_mem>>) src(%dma_wait3A_68 : memref<32x128xi32, #tpu.memory_space<hbm>>) dst(%arg6 : memref<32x128xi32, #tpu.memory_space<vmem>>)
      tpu.yield
    }) : () -> ()
    %dma_start3A = arith.constant 0 : i32
    %dma_start3A_29 = arith.constant 0 : i32
    %dma_start3A_30 = tpu.memref_slice %arg6[%dma_start3A, %dma_start3A_29] : memref<32x128xi32, #tpu.memory_space<vmem>> -> memref<1x128xi32, #tpu.memory_space<vmem>>
    %dma_start3A_31 = tpu.memref_squeeze %dma_start3A_30 : memref<1x128xi32, #tpu.memory_space<vmem>> -> memref<128xi32, #tpu.memory_space<vmem>>
    %dma_start3A_32 = arith.constant 0 : i32
    %dma_start3A_33 = arith.constant 0 : i32
    %dma_start3A_34 = tpu.memref_slice %arg2[%dma_start3A_32, %dma_start3A_33] : memref<130305x256xf32, #tpu.memory_space<hbm>> -> memref<130305x256xf32, #tpu.memory_space<hbm>>
    tpu.enqueue_indirect_dma source(%dma_start3A_34 : memref<130305x256xf32, #tpu.memory_space<hbm>>) target(%arg8 : memref<128x256xf32, #tpu.memory_space<vmem>>) offsets(%dma_start3A_31 : memref<128xi32, #tpu.memory_space<vmem>>) semaphore(%arg11 : memref<!tpu.dma_semaphore, #tpu.memory_space<semaphore_mem>>)
    %while3A = arith.constant 0 : i32
    %while3A_35 = arith.constant 0 : i32
    %while3A_36 = arith.subi %select_n3A_28, %while3A_35 : i32
    %while3A_37 = arith.addi %while3A_35, %while3A_36 : i32
    %while3A_38 = arith.constant 1 : i32
    %while3A_39 = arith.divsi %while3A_36, %while3A_38 : i32
    %while3A_40 = arith.muli %while3A_39, %while3A_38 : i32
    %while3A_41 = arith.addi %while3A_35, %while3A_40 : i32
    %while3A_42 = arith.constant 1 : i32
    scf.for %while3A_57 = %while3A_35 to %while3A_41 step %while3A_42  : i32 {
      %mul3A_58 = arith.constant 2 : i32
      %mul3A_59 = arith.muli %mul3A_58, %while3A_57 : i32
      %gt3A = arith.constant 0 : i32
      %gt3A_60 = arith.cmpi sgt, %while3A_57, %gt3A : i32
      %convert_element_type3A_61 = arith.extui %gt3A_60 : i1 to i32
      %cond3A_62 = arith.constant 0 : i32
      %cond3A_63 = arith.cmpi ne, %convert_element_type3A_61, %cond3A_62 : i32
      scf.if %cond3A_63 {
        %dma_wait3A_107 = arith.constant 0 : i32
        %dma_wait3A_108 = arith.constant 0 : i32
        %dma_wait3A_109 = tpu.memref_slice %arg2[%dma_wait3A_107, %dma_wait3A_108] : memref<130305x256xf32, #tpu.memory_space<hbm>> -> memref<128x256xf32, #tpu.memory_space<hbm>>
        %dma_wait3A_110 = arith.constant 0 : i32
        %dma_wait3A_111 = arith.constant 0 : i32
        %dma_wait3A_112 = tpu.memref_slice %arg2[%dma_wait3A_110, %dma_wait3A_111] : memref<130305x256xf32, #tpu.memory_space<hbm>> -> memref<128x256xf32, #tpu.memory_space<hbm>>
        tpu.wait_dma2 semaphore(%arg13 : memref<!tpu.dma_semaphore, #tpu.memory_space<semaphore_mem>>) src(%dma_wait3A_112 : memref<128x256xf32, #tpu.memory_space<hbm>>) dst(%arg8 : memref<128x256xf32, #tpu.memory_space<vmem>>)
      } else {
      }
      %add3A_64 = arith.constant 1 : i32
      %add3A_65 = arith.addi %mul3A_59, %add3A_64 : i32
      %dma_start3A_66 = arith.constant 0 : i32
      %dma_start3A_67 = tpu.memref_slice %arg6[%add3A_65, %dma_start3A_66] : memref<32x128xi32, #tpu.memory_space<vmem>> -> memref<1x128xi32, #tpu.memory_space<vmem>>
      %dma_start3A_68 = tpu.memref_squeeze %dma_start3A_67 : memref<1x128xi32, #tpu.memory_space<vmem>> -> memref<128xi32, #tpu.memory_space<vmem>>
      %dma_start3A_69 = arith.constant 0 : i32
      %dma_start3A_70 = arith.constant 0 : i32
      %dma_start3A_71 = tpu.memref_slice %arg2[%dma_start3A_69, %dma_start3A_70] : memref<130305x256xf32, #tpu.memory_space<hbm>> -> memref<130305x256xf32, #tpu.memory_space<hbm>>
      tpu.enqueue_indirect_dma source(%dma_start3A_71 : memref<130305x256xf32, #tpu.memory_space<hbm>>) target(%arg9 : memref<128x256xf32, #tpu.memory_space<vmem>>) offsets(%dma_start3A_68 : memref<128xi32, #tpu.memory_space<vmem>>) semaphore(%arg12 : memref<!tpu.dma_semaphore, #tpu.memory_space<semaphore_mem>>)
      %dma_wait3A_72 = arith.constant 0 : i32
      %dma_wait3A_73 = tpu.memref_slice %arg6[%mul3A_59, %dma_wait3A_72] : memref<32x128xi32, #tpu.memory_space<vmem>> -> memref<1x128xi32, #tpu.memory_space<vmem>>
      %dma_wait3A_74 = tpu.memref_squeeze %dma_wait3A_73 : memref<1x128xi32, #tpu.memory_space<vmem>> -> memref<128xi32, #tpu.memory_space<vmem>>
      %dma_wait3A_75 = arith.constant 0 : i32
      %dma_wait3A_76 = arith.constant 0 : i32
      %dma_wait3A_77 = tpu.memref_slice %arg2[%dma_wait3A_75, %dma_wait3A_76] : memref<130305x256xf32, #tpu.memory_space<hbm>> -> memref<130305x256xf32, #tpu.memory_space<hbm>>
      tpu.wait_indirect_dma semaphore(%arg11 : memref<!tpu.dma_semaphore, #tpu.memory_space<semaphore_mem>>) src(%dma_wait3A_77 : memref<130305x256xf32, #tpu.memory_space<hbm>>) dst(%arg8 : memref<128x256xf32, #tpu.memory_space<vmem>>)
      %add3A_78 = arith.addi %mul3A_6, %mul3A_59 : i32
      %mul3A_79 = arith.constant 128 : i32
      %mul3A_80 = arith.muli %add3A_78, %mul3A_79 : i32
      %dma_start3A_81 = arith.constant 0 : i32
      %dma_start3A_82 = tpu.memref_slice %arg5[%mul3A_80, %dma_start3A_81] : memref<130305x256xf32, #tpu.memory_space<hbm>> -> memref<128x256xf32, #tpu.memory_space<hbm>>
      %dma_start3A_83 = arith.constant 0 : i32
      %dma_start3A_84 = tpu.memref_slice %arg5[%mul3A_80, %dma_start3A_83] : memref<130305x256xf32, #tpu.memory_space<hbm>> -> memref<128x256xf32, #tpu.memory_space<hbm>>
      tpu.enqueue_dma source(%arg8 : memref<128x256xf32, #tpu.memory_space<vmem>>) target(%dma_start3A_84 : memref<128x256xf32, #tpu.memory_space<hbm>>) target_semaphore(%arg13 : memref<!tpu.dma_semaphore, #tpu.memory_space<semaphore_mem>>)
      %add3A_85 = arith.constant 1 : i32
      %add3A_86 = arith.addi %while3A_57, %add3A_85 : i32
      %lt3A = arith.cmpi slt, %add3A_86, %select_n3A_28 : i32
      %convert_element_type3A_87 = arith.extui %lt3A : i1 to i32
      %cond3A_88 = arith.constant 0 : i32
      %cond3A_89 = arith.cmpi ne, %convert_element_type3A_87, %cond3A_88 : i32
      scf.if %cond3A_89 {
        %dma_wait3A_107 = arith.constant 0 : i32
        %dma_wait3A_108 = arith.constant 0 : i32
        %dma_wait3A_109 = tpu.memref_slice %arg2[%dma_wait3A_107, %dma_wait3A_108] : memref<130305x256xf32, #tpu.memory_space<hbm>> -> memref<128x256xf32, #tpu.memory_space<hbm>>
        %dma_wait3A_110 = arith.constant 0 : i32
        %dma_wait3A_111 = arith.constant 0 : i32
        %dma_wait3A_112 = tpu.memref_slice %arg2[%dma_wait3A_110, %dma_wait3A_111] : memref<130305x256xf32, #tpu.memory_space<hbm>> -> memref<128x256xf32, #tpu.memory_space<hbm>>
        tpu.wait_dma2 semaphore(%arg13 : memref<!tpu.dma_semaphore, #tpu.memory_space<semaphore_mem>>) src(%dma_wait3A_112 : memref<128x256xf32, #tpu.memory_space<hbm>>) dst(%arg8 : memref<128x256xf32, #tpu.memory_space<vmem>>)
        %add3A_113 = arith.constant 2 : i32
        %add3A_114 = arith.addi %mul3A_59, %add3A_113 : i32
        %dma_start3A_115 = arith.constant 0 : i32
        %dma_start3A_116 = tpu.memref_slice %arg6[%add3A_114, %dma_start3A_115] : memref<32x128xi32, #tpu.memory_space<vmem>> -> memref<1x128xi32, #tpu.memory_space<vmem>>
        %dma_start3A_117 = tpu.memref_squeeze %dma_start3A_116 : memref<1x128xi32, #tpu.memory_space<vmem>> -> memref<128xi32, #tpu.memory_space<vmem>>
        %dma_start3A_118 = arith.constant 0 : i32
        %dma_start3A_119 = arith.constant 0 : i32
        %dma_start3A_120 = tpu.memref_slice %arg2[%dma_start3A_118, %dma_start3A_119] : memref<130305x256xf32, #tpu.memory_space<hbm>> -> memref<130305x256xf32, #tpu.memory_space<hbm>>
        tpu.enqueue_indirect_dma source(%dma_start3A_120 : memref<130305x256xf32, #tpu.memory_space<hbm>>) target(%arg8 : memref<128x256xf32, #tpu.memory_space<vmem>>) offsets(%dma_start3A_117 : memref<128xi32, #tpu.memory_space<vmem>>) semaphore(%arg11 : memref<!tpu.dma_semaphore, #tpu.memory_space<semaphore_mem>>)
      } else {
      }
      %add3A_90 = arith.constant 1 : i32
      %add3A_91 = arith.addi %mul3A_59, %add3A_90 : i32
      %dma_wait3A_92 = arith.constant 0 : i32
      %dma_wait3A_93 = tpu.memref_slice %arg6[%add3A_91, %dma_wait3A_92] : memref<32x128xi32, #tpu.memory_space<vmem>> -> memref<1x128xi32, #tpu.memory_space<vmem>>
      %dma_wait3A_94 = tpu.memref_squeeze %dma_wait3A_93 : memref<1x128xi32, #tpu.memory_space<vmem>> -> memref<128xi32, #tpu.memory_space<vmem>>
      %dma_wait3A_95 = arith.constant 0 : i32
      %dma_wait3A_96 = arith.constant 0 : i32
      %dma_wait3A_97 = tpu.memref_slice %arg2[%dma_wait3A_95, %dma_wait3A_96] : memref<130305x256xf32, #tpu.memory_space<hbm>> -> memref<130305x256xf32, #tpu.memory_space<hbm>>
      tpu.wait_indirect_dma semaphore(%arg12 : memref<!tpu.dma_semaphore, #tpu.memory_space<semaphore_mem>>) src(%dma_wait3A_97 : memref<130305x256xf32, #tpu.memory_space<hbm>>) dst(%arg9 : memref<128x256xf32, #tpu.memory_space<vmem>>)
      %add3A_98 = arith.constant 1 : i32
      %add3A_99 = arith.addi %mul3A_59, %add3A_98 : i32
      %add3A_100 = arith.addi %mul3A_6, %add3A_99 : i32
      %mul3A_101 = arith.constant 128 : i32
      %mul3A_102 = arith.muli %add3A_100, %mul3A_101 : i32
      %dma_start3A_103 = arith.constant 0 : i32
      %dma_start3A_104 = tpu.memref_slice %arg5[%mul3A_102, %dma_start3A_103] : memref<130305x256xf32, #tpu.memory_space<hbm>> -> memref<128x256xf32, #tpu.memory_space<hbm>>
      %dma_start3A_105 = arith.constant 0 : i32
      %dma_start3A_106 = tpu.memref_slice %arg5[%mul3A_102, %dma_start3A_105] : memref<130305x256xf32, #tpu.memory_space<hbm>> -> memref<128x256xf32, #tpu.memory_space<hbm>>
      tpu.enqueue_dma source(%arg9 : memref<128x256xf32, #tpu.memory_space<vmem>>) target(%dma_start3A_106 : memref<128x256xf32, #tpu.memory_space<hbm>>) target_semaphore(%arg13 : memref<!tpu.dma_semaphore, #tpu.memory_space<semaphore_mem>>)
    }
    %while3A_43 = arith.constant 1 : i32
    scf.for %while3A_57 = %while3A_41 to %while3A_37 step %while3A_43  : i32 {
      %mul3A_58 = arith.constant 2 : i32
      %mul3A_59 = arith.muli %mul3A_58, %while3A_57 : i32
      %gt3A = arith.constant 0 : i32
      %gt3A_60 = arith.cmpi sgt, %while3A_57, %gt3A : i32
      %convert_element_type3A_61 = arith.extui %gt3A_60 : i1 to i32
      %cond3A_62 = arith.constant 0 : i32
      %cond3A_63 = arith.cmpi ne, %convert_element_type3A_61, %cond3A_62 : i32
      scf.if %cond3A_63 {
        %dma_wait3A_107 = arith.constant 0 : i32
        %dma_wait3A_108 = arith.constant 0 : i32
        %dma_wait3A_109 = tpu.memref_slice %arg2[%dma_wait3A_107, %dma_wait3A_108] : memref<130305x256xf32, #tpu.memory_space<hbm>> -> memref<128x256xf32, #tpu.memory_space<hbm>>
        %dma_wait3A_110 = arith.constant 0 : i32
        %dma_wait3A_111 = arith.constant 0 : i32
        %dma_wait3A_112 = tpu.memref_slice %arg2[%dma_wait3A_110, %dma_wait3A_111] : memref<130305x256xf32, #tpu.memory_space<hbm>> -> memref<128x256xf32, #tpu.memory_space<hbm>>
        tpu.wait_dma2 semaphore(%arg13 : memref<!tpu.dma_semaphore, #tpu.memory_space<semaphore_mem>>) src(%dma_wait3A_112 : memref<128x256xf32, #tpu.memory_space<hbm>>) dst(%arg8 : memref<128x256xf32, #tpu.memory_space<vmem>>)
      } else {
      }
      %add3A_64 = arith.constant 1 : i32
      %add3A_65 = arith.addi %mul3A_59, %add3A_64 : i32
      %dma_start3A_66 = arith.constant 0 : i32
      %dma_start3A_67 = tpu.memref_slice %arg6[%add3A_65, %dma_start3A_66] : memref<32x128xi32, #tpu.memory_space<vmem>> -> memref<1x128xi32, #tpu.memory_space<vmem>>
      %dma_start3A_68 = tpu.memref_squeeze %dma_start3A_67 : memref<1x128xi32, #tpu.memory_space<vmem>> -> memref<128xi32, #tpu.memory_space<vmem>>
      %dma_start3A_69 = arith.constant 0 : i32
      %dma_start3A_70 = arith.constant 0 : i32
      %dma_start3A_71 = tpu.memref_slice %arg2[%dma_start3A_69, %dma_start3A_70] : memref<130305x256xf32, #tpu.memory_space<hbm>> -> memref<130305x256xf32, #tpu.memory_space<hbm>>
      tpu.enqueue_indirect_dma source(%dma_start3A_71 : memref<130305x256xf32, #tpu.memory_space<hbm>>) target(%arg9 : memref<128x256xf32, #tpu.memory_space<vmem>>) offsets(%dma_start3A_68 : memref<128xi32, #tpu.memory_space<vmem>>) semaphore(%arg12 : memref<!tpu.dma_semaphore, #tpu.memory_space<semaphore_mem>>)
      %dma_wait3A_72 = arith.constant 0 : i32
      %dma_wait3A_73 = tpu.memref_slice %arg6[%mul3A_59, %dma_wait3A_72] : memref<32x128xi32, #tpu.memory_space<vmem>> -> memref<1x128xi32, #tpu.memory_space<vmem>>
      %dma_wait3A_74 = tpu.memref_squeeze %dma_wait3A_73 : memref<1x128xi32, #tpu.memory_space<vmem>> -> memref<128xi32, #tpu.memory_space<vmem>>
      %dma_wait3A_75 = arith.constant 0 : i32
      %dma_wait3A_76 = arith.constant 0 : i32
      %dma_wait3A_77 = tpu.memref_slice %arg2[%dma_wait3A_75, %dma_wait3A_76] : memref<130305x256xf32, #tpu.memory_space<hbm>> -> memref<130305x256xf32, #tpu.memory_space<hbm>>
      tpu.wait_indirect_dma semaphore(%arg11 : memref<!tpu.dma_semaphore, #tpu.memory_space<semaphore_mem>>) src(%dma_wait3A_77 : memref<130305x256xf32, #tpu.memory_space<hbm>>) dst(%arg8 : memref<128x256xf32, #tpu.memory_space<vmem>>)
      %add3A_78 = arith.addi %mul3A_6, %mul3A_59 : i32
      %mul3A_79 = arith.constant 128 : i32
      %mul3A_80 = arith.muli %add3A_78, %mul3A_79 : i32
      %dma_start3A_81 = arith.constant 0 : i32
      %dma_start3A_82 = tpu.memref_slice %arg5[%mul3A_80, %dma_start3A_81] : memref<130305x256xf32, #tpu.memory_space<hbm>> -> memref<128x256xf32, #tpu.memory_space<hbm>>
      %dma_start3A_83 = arith.constant 0 : i32
      %dma_start3A_84 = tpu.memref_slice %arg5[%mul3A_80, %dma_start3A_83] : memref<130305x256xf32, #tpu.memory_space<hbm>> -> memref<128x256xf32, #tpu.memory_space<hbm>>
      tpu.enqueue_dma source(%arg8 : memref<128x256xf32, #tpu.memory_space<vmem>>) target(%dma_start3A_84 : memref<128x256xf32, #tpu.memory_space<hbm>>) target_semaphore(%arg13 : memref<!tpu.dma_semaphore, #tpu.memory_space<semaphore_mem>>)
      %add3A_85 = arith.constant 1 : i32
      %add3A_86 = arith.addi %while3A_57, %add3A_85 : i32
      %lt3A = arith.cmpi slt, %add3A_86, %select_n3A_28 : i32
      %convert_element_type3A_87 = arith.extui %lt3A : i1 to i32
      %cond3A_88 = arith.constant 0 : i32
      %cond3A_89 = arith.cmpi ne, %convert_element_type3A_87, %cond3A_88 : i32
      scf.if %cond3A_89 {
        %dma_wait3A_107 = arith.constant 0 : i32
        %dma_wait3A_108 = arith.constant 0 : i32
        %dma_wait3A_109 = tpu.memref_slice %arg2[%dma_wait3A_107, %dma_wait3A_108] : memref<130305x256xf32, #tpu.memory_space<hbm>> -> memref<128x256xf32, #tpu.memory_space<hbm>>
        %dma_wait3A_110 = arith.constant 0 : i32
        %dma_wait3A_111 = arith.constant 0 : i32
        %dma_wait3A_112 = tpu.memref_slice %arg2[%dma_wait3A_110, %dma_wait3A_111] : memref<130305x256xf32, #tpu.memory_space<hbm>> -> memref<128x256xf32, #tpu.memory_space<hbm>>
        tpu.wait_dma2 semaphore(%arg13 : memref<!tpu.dma_semaphore, #tpu.memory_space<semaphore_mem>>) src(%dma_wait3A_112 : memref<128x256xf32, #tpu.memory_space<hbm>>) dst(%arg8 : memref<128x256xf32, #tpu.memory_space<vmem>>)
        %add3A_113 = arith.constant 2 : i32
        %add3A_114 = arith.addi %mul3A_59, %add3A_113 : i32
        %dma_start3A_115 = arith.constant 0 : i32
        %dma_start3A_116 = tpu.memref_slice %arg6[%add3A_114, %dma_start3A_115] : memref<32x128xi32, #tpu.memory_space<vmem>> -> memref<1x128xi32, #tpu.memory_space<vmem>>
        %dma_start3A_117 = tpu.memref_squeeze %dma_start3A_116 : memref<1x128xi32, #tpu.memory_space<vmem>> -> memref<128xi32, #tpu.memory_space<vmem>>
        %dma_start3A_118 = arith.constant 0 : i32
        %dma_start3A_119 = arith.constant 0 : i32
        %dma_start3A_120 = tpu.memref_slice %arg2[%dma_start3A_118, %dma_start3A_119] : memref<130305x256xf32, #tpu.memory_space<hbm>> -> memref<130305x256xf32, #tpu.memory_space<hbm>>
        tpu.enqueue_indirect_dma source(%dma_start3A_120 : memref<130305x256xf32, #tpu.memory_space<hbm>>) target(%arg8 : memref<128x256xf32, #tpu.memory_space<vmem>>) offsets(%dma_start3A_117 : memref<128xi32, #tpu.memory_space<vmem>>) semaphore(%arg11 : memref<!tpu.dma_semaphore, #tpu.memory_space<semaphore_mem>>)
      } else {
      }
      %add3A_90 = arith.constant 1 : i32
      %add3A_91 = arith.addi %mul3A_59, %add3A_90 : i32
      %dma_wait3A_92 = arith.constant 0 : i32
      %dma_wait3A_93 = tpu.memref_slice %arg6[%add3A_91, %dma_wait3A_92] : memref<32x128xi32, #tpu.memory_space<vmem>> -> memref<1x128xi32, #tpu.memory_space<vmem>>
      %dma_wait3A_94 = tpu.memref_squeeze %dma_wait3A_93 : memref<1x128xi32, #tpu.memory_space<vmem>> -> memref<128xi32, #tpu.memory_space<vmem>>
      %dma_wait3A_95 = arith.constant 0 : i32
      %dma_wait3A_96 = arith.constant 0 : i32
      %dma_wait3A_97 = tpu.memref_slice %arg2[%dma_wait3A_95, %dma_wait3A_96] : memref<130305x256xf32, #tpu.memory_space<hbm>> -> memref<130305x256xf32, #tpu.memory_space<hbm>>
      tpu.wait_indirect_dma semaphore(%arg12 : memref<!tpu.dma_semaphore, #tpu.memory_space<semaphore_mem>>) src(%dma_wait3A_97 : memref<130305x256xf32, #tpu.memory_space<hbm>>) dst(%arg9 : memref<128x256xf32, #tpu.memory_space<vmem>>)
      %add3A_98 = arith.constant 1 : i32
      %add3A_99 = arith.addi %mul3A_59, %add3A_98 : i32
      %add3A_100 = arith.addi %mul3A_6, %add3A_99 : i32
      %mul3A_101 = arith.constant 128 : i32
      %mul3A_102 = arith.muli %add3A_100, %mul3A_101 : i32
      %dma_start3A_103 = arith.constant 0 : i32
      %dma_start3A_104 = tpu.memref_slice %arg5[%mul3A_102, %dma_start3A_103] : memref<130305x256xf32, #tpu.memory_space<hbm>> -> memref<128x256xf32, #tpu.memory_space<hbm>>
      %dma_start3A_105 = arith.constant 0 : i32
      %dma_start3A_106 = tpu.memref_slice %arg5[%mul3A_102, %dma_start3A_105] : memref<130305x256xf32, #tpu.memory_space<hbm>> -> memref<128x256xf32, #tpu.memory_space<hbm>>
      tpu.enqueue_dma source(%arg9 : memref<128x256xf32, #tpu.memory_space<vmem>>) target(%dma_start3A_106 : memref<128x256xf32, #tpu.memory_space<hbm>>) target_semaphore(%arg13 : memref<!tpu.dma_semaphore, #tpu.memory_space<semaphore_mem>>)
    }
    %dma_wait3A = arith.constant 0 : i32
    %dma_wait3A_44 = arith.constant 0 : i32
    %dma_wait3A_45 = tpu.memref_slice %arg2[%dma_wait3A, %dma_wait3A_44] : memref<130305x256xf32, #tpu.memory_space<hbm>> -> memref<128x256xf32, #tpu.memory_space<hbm>>
    %dma_wait3A_46 = arith.constant 0 : i32
    %dma_wait3A_47 = arith.constant 0 : i32
    %dma_wait3A_48 = tpu.memref_slice %arg2[%dma_wait3A_46, %dma_wait3A_47] : memref<130305x256xf32, #tpu.memory_space<hbm>> -> memref<128x256xf32, #tpu.memory_space<hbm>>
    tpu.wait_dma2 semaphore(%arg13 : memref<!tpu.dma_semaphore, #tpu.memory_space<semaphore_mem>>) src(%dma_wait3A_48 : memref<128x256xf32, #tpu.memory_space<hbm>>) dst(%arg8 : memref<128x256xf32, #tpu.memory_space<vmem>>)
    %dma_wait3A_49 = arith.constant 0 : i32
    %dma_wait3A_50 = arith.constant 0 : i32
    %dma_wait3A_51 = tpu.memref_slice %arg2[%dma_wait3A_49, %dma_wait3A_50] : memref<130305x256xf32, #tpu.memory_space<hbm>> -> memref<128x256xf32, #tpu.memory_space<hbm>>
    %dma_wait3A_52 = arith.constant 0 : i32
    %dma_wait3A_53 = arith.constant 0 : i32
    %dma_wait3A_54 = tpu.memref_slice %arg2[%dma_wait3A_52, %dma_wait3A_53] : memref<130305x256xf32, #tpu.memory_space<hbm>> -> memref<128x256xf32, #tpu.memory_space<hbm>>
    tpu.wait_dma2 semaphore(%arg13 : memref<!tpu.dma_semaphore, #tpu.memory_space<semaphore_mem>>) src(%dma_wait3A_54 : memref<128x256xf32, #tpu.memory_space<hbm>>) dst(%arg8 : memref<128x256xf32, #tpu.memory_space<vmem>>)
    %eq3A = arith.constant 31 : i32
    %eq3A_55 = arith.cmpi eq, %add3A, %eq3A : i32
    %convert_element_type3A = arith.extui %eq3A_55 : i1 to i32
    %cond3A = arith.constant 0 : i32
    %cond3A_56 = arith.cmpi ne, %convert_element_type3A, %cond3A : i32
    scf.if %cond3A_56 {
      %run_scoped3A = arith.constant 0 : i32
      "tpu.region"() ({
        %run_scoped3A_85 = tpu.sem_alloc : memref<!tpu.dma_semaphore, #tpu.memory_space<semaphore_mem>>
        %dma_start3A_86 = arith.constant 1016 : i32
        %dma_start3A_87 = arith.constant 0 : i32
        %dma_start3A_88 = tpu.memref_slice %arg3[%run_scoped3A, %dma_start3A_86, %dma_start3A_87] : memref<2x1024x128xi32, #tpu.memory_space<hbm>> -> memref<1x8x128xi32, #tpu.memory_space<hbm>>
        %dma_start3A_89 = tpu.memref_squeeze %dma_start3A_88 : memref<1x8x128xi32, #tpu.memory_space<hbm>> -> memref<8x128xi32, #tpu.memory_space<hbm>>
        %dma_start3A_90 = arith.constant 1016 : i32
        %dma_start3A_91 = arith.constant 0 : i32
        %dma_start3A_92 = tpu.memref_slice %arg3[%run_scoped3A, %dma_start3A_90, %dma_start3A_91] : memref<2x1024x128xi32, #tpu.memory_space<hbm>> -> memref<1x8x128xi32, #tpu.memory_space<hbm>>
        %dma_start3A_93 = tpu.memref_squeeze %dma_start3A_92 : memref<1x8x128xi32, #tpu.memory_space<hbm>> -> memref<8x128xi32, #tpu.memory_space<hbm>>
        tpu.enqueue_dma source(%dma_start3A_93 : memref<8x128xi32, #tpu.memory_space<hbm>>) target(%arg7 : memref<8x128xi32, #tpu.memory_space<vmem>>) target_semaphore(%run_scoped3A_85 : memref<!tpu.dma_semaphore, #tpu.memory_space<semaphore_mem>>)
        %dma_wait3A_94 = arith.constant 1016 : i32
        %dma_wait3A_95 = arith.constant 0 : i32
        %dma_wait3A_96 = tpu.memref_slice %arg3[%run_scoped3A, %dma_wait3A_94, %dma_wait3A_95] : memref<2x1024x128xi32, #tpu.memory_space<hbm>> -> memref<1x8x128xi32, #tpu.memory_space<hbm>>
        %dma_wait3A_97 = tpu.memref_squeeze %dma_wait3A_96 : memref<1x8x128xi32, #tpu.memory_space<hbm>> -> memref<8x128xi32, #tpu.memory_space<hbm>>
        %dma_wait3A_98 = arith.constant 1016 : i32
        %dma_wait3A_99 = arith.constant 0 : i32
        %dma_wait3A_100 = tpu.memref_slice %arg3[%run_scoped3A, %dma_wait3A_98, %dma_wait3A_99] : memref<2x1024x128xi32, #tpu.memory_space<hbm>> -> memref<1x8x128xi32, #tpu.memory_space<hbm>>
        %dma_wait3A_101 = tpu.memref_squeeze %dma_wait3A_100 : memref<1x8x128xi32, #tpu.memory_space<hbm>> -> memref<8x128xi32, #tpu.memory_space<hbm>>
        tpu.wait_dma2 semaphore(%run_scoped3A_85 : memref<!tpu.dma_semaphore, #tpu.memory_space<semaphore_mem>>) src(%dma_wait3A_101 : memref<8x128xi32, #tpu.memory_space<hbm>>) dst(%arg7 : memref<8x128xi32, #tpu.memory_space<vmem>>)
        tpu.yield
      }) : () -> ()
      %dma_start3A_57 = arith.constant 26 : i32
      %dma_start3A_58 = arith.constant 0 : i32
      %dma_start3A_59 = tpu.memref_slice %arg6[%dma_start3A_57, %dma_start3A_58] : memref<32x128xi32, #tpu.memory_space<vmem>> -> memref<1x128xi32, #tpu.memory_space<vmem>>
      %dma_start3A_60 = tpu.memref_squeeze %dma_start3A_59 : memref<1x128xi32, #tpu.memory_space<vmem>> -> memref<128xi32, #tpu.memory_space<vmem>>
      %dma_start3A_61 = arith.constant 0 : i32
      %dma_start3A_62 = arith.constant 0 : i32
      %dma_start3A_63 = tpu.memref_slice %arg2[%dma_start3A_61, %dma_start3A_62] : memref<130305x256xf32, #tpu.memory_space<hbm>> -> memref<130305x256xf32, #tpu.memory_space<hbm>>
      tpu.enqueue_indirect_dma source(%dma_start3A_63 : memref<130305x256xf32, #tpu.memory_space<hbm>>) target(%arg8 : memref<128x256xf32, #tpu.memory_space<vmem>>) offsets(%dma_start3A_60 : memref<128xi32, #tpu.memory_space<vmem>>) semaphore(%arg11 : memref<!tpu.dma_semaphore, #tpu.memory_space<semaphore_mem>>)
      %dma_wait3A_64 = arith.constant 26 : i32
      %dma_wait3A_65 = arith.constant 0 : i32
      %dma_wait3A_66 = tpu.memref_slice %arg6[%dma_wait3A_64, %dma_wait3A_65] : memref<32x128xi32, #tpu.memory_space<vmem>> -> memref<1x128xi32, #tpu.memory_space<vmem>>
      %dma_wait3A_67 = tpu.memref_squeeze %dma_wait3A_66 : memref<1x128xi32, #tpu.memory_space<vmem>> -> memref<128xi32, #tpu.memory_space<vmem>>
      %dma_wait3A_68 = arith.constant 0 : i32
      %dma_wait3A_69 = arith.constant 0 : i32
      %dma_wait3A_70 = tpu.memref_slice %arg2[%dma_wait3A_68, %dma_wait3A_69] : memref<130305x256xf32, #tpu.memory_space<hbm>> -> memref<130305x256xf32, #tpu.memory_space<hbm>>
      tpu.wait_indirect_dma semaphore(%arg11 : memref<!tpu.dma_semaphore, #tpu.memory_space<semaphore_mem>>) src(%dma_wait3A_70 : memref<130305x256xf32, #tpu.memory_space<hbm>>) dst(%arg8 : memref<128x256xf32, #tpu.memory_space<vmem>>)
      %dma_start3A_71 = arith.constant 2 : i32
      %dma_start3A_72 = arith.constant 0 : i32
      %dma_start3A_73 = tpu.memref_slice %arg7[%dma_start3A_71, %dma_start3A_72] : memref<8x128xi32, #tpu.memory_space<vmem>> -> memref<1x128xi32, #tpu.memory_space<vmem>>
      %dma_start3A_74 = tpu.memref_squeeze %dma_start3A_73 : memref<1x128xi32, #tpu.memory_space<vmem>> -> memref<128xi32, #tpu.memory_space<vmem>>
      %dma_start3A_75 = arith.constant 0 : i32
      %dma_start3A_76 = arith.constant 0 : i32
      %dma_start3A_77 = tpu.memref_slice %arg5[%dma_start3A_75, %dma_start3A_76] : memref<130305x256xf32, #tpu.memory_space<hbm>> -> memref<130305x256xf32, #tpu.memory_space<hbm>>
      tpu.enqueue_indirect_dma source(%arg8 : memref<128x256xf32, #tpu.memory_space<vmem>>) target(%dma_start3A_77 : memref<130305x256xf32, #tpu.memory_space<hbm>>) offsets(%dma_start3A_74 : memref<128xi32, #tpu.memory_space<vmem>>) semaphore(%arg11 : memref<!tpu.dma_semaphore, #tpu.memory_space<semaphore_mem>>)
      %dma_wait3A_78 = arith.constant 2 : i32
      %dma_wait3A_79 = arith.constant 0 : i32
      %dma_wait3A_80 = tpu.memref_slice %arg7[%dma_wait3A_78, %dma_wait3A_79] : memref<8x128xi32, #tpu.memory_space<vmem>> -> memref<1x128xi32, #tpu.memory_space<vmem>>
      %dma_wait3A_81 = tpu.memref_squeeze %dma_wait3A_80 : memref<1x128xi32, #tpu.memory_space<vmem>> -> memref<128xi32, #tpu.memory_space<vmem>>
      %dma_wait3A_82 = arith.constant 0 : i32
      %dma_wait3A_83 = arith.constant 0 : i32
      %dma_wait3A_84 = tpu.memref_slice %arg5[%dma_wait3A_82, %dma_wait3A_83] : memref<130305x256xf32, #tpu.memory_space<hbm>> -> memref<130305x256xf32, #tpu.memory_space<hbm>>
      tpu.wait_indirect_dma semaphore(%arg11 : memref<!tpu.dma_semaphore, #tpu.memory_space<semaphore_mem>>) src(%arg8 : memref<128x256xf32, #tpu.memory_space<vmem>>) dst(%dma_wait3A_84 : memref<130305x256xf32, #tpu.memory_space<hbm>>)
    } else {
    }
    return
  }
}

</mosaic_0001>

<sc_bundles>
// kernel: _sc_gather.3.cloned.1.call-start
scs
__scs_entry_jumppad:
0x0: {  	(pc) =	sbr.rel $0x88, $3  }
0x1: {  	(tag) =	ssettag $0x0;
	lr =	simm.s32 $0x1  }
0x2: {  	[smem:$0x3F9E] =	sst lr;
	_ =	strace $0xD0000000  }
0x3: {  	_ = 	snop  }
0x4: {  	_ = 	snop  }
0x5: {  	_ = 	snop  }
0x6: {  	_ = 	snop  }
0x7: {  	_ = 	snop  }
__scs_overlays_trampoline_lowered:
0x8: {  	[smem:$0x3FAD] =	sst s0  }
0x9: {  	[smem:$0x3FAE] =	sst s1  }
0xa: {  	[smem:$0x3FAF] =	sst s2  }
0xb: {  	[smem:$0x3FB0] =	sst s3  }
0xc: {  	[smem:$0x3FB1] =	sst s4  }
0xd: {  	[smem:$0x3FB2] =	sst s5  }
0xe: {  	[smem:$0x3FB3] =	sst s6  }
0xf: {  	[smem:$0x3FB4] =	sst s7  }
0x10: {  	[smem:$0x3FB5] =	sst s8  }
0x11: {  	[smem:$0x3FB6] =	sst s9;
	s0 =	simm.s32 @!p0 $0x0  }
0x12: {  	s1 =	sld [smem:$0x3F9C];
	s0 =	simm.s32 @p0 $0x1  }
0x13: {  	[smem:$0x3FB7] =	sst s0;
	s0 =	simm.s32 @!p1 $0x0  }
0x14: {  	s2 =	sld [smem:$0x3F9B];
	s0 =	simm.s32 @p1 $0x1  }
0x15: {  	[smem:$0x3FB8] =	sst s0;
	s0 =	simm.s32 @!p2 $0x0  }
0x16: {  	s3 =	sld [smem:$0x3FDB];
	s0 =	simm.s32 @p2 $0x1  }
0x17: {  	s4 =	simm.s32 $0x1BF5;
	[smem:$0x3FBA] =	sst s0  }
0x18: {  	s0 =	sld [smem:$0x3F9D];
	_ =	swait.ge [sflag:s4], $0x0  }
0x19: {  	s7 =	sld [smem:$0x3F9E]  }
0x1a: {  	s8 =	sadd.s32 $0xFFFFE003, lr  }
0x1b: {  	s9 =	sadd.s32 $0xFFFFFEF7, lr;
	s5 =	simm.s32 $0xFFFFFFFF;
	p2 =	slt.u32 s8, $0xFFFFF086  }
0x1c: {  	p1 =	slt.u32 s9, $0xF7A;
	s5 =	simm.s32 @!p2 $0x0  }
0x1d: {  	s5 =	simm.s32 @p1 $0x1;
	p0 =	seq.s32 s7, s2  }
0x1e: {  	s7 =	smul.u32 @!p0 $0xF7A, s2;
	p2 =	seq.s32 @!p0 s5, $0x0  }
0x1f: {  	s9 =	smul.u32 $0xF7A, s1;
	s8 =	simm.s32 @!p0 $0x1BF5;
	p2 =	por !p2, p0  }
0x20: {  	[sflag:s8] =	ssyncset.s32 @!p0 $0xFFFFF086;
	s6 =	sadd.s32 @!p0 s3, s7;
	s7 =	simm.s32 @!p0 $0x108  }
0x21: {  	s3 =	sadd.s32 s3, s9;
	s6 =	sadd.s32 @!p0 $0x88, s6;
	s7 =	simm.s32 @p2 $0x1082  }
0x22: {  	[simem:s7], [sflag:s8] =	dma.local @!p0 [hbm:s6], $0xF7A  }
0x23: {  	s9 =	sor.u32 $0xD0000000, s2;
	s6 =	simm.s32 $0x108;
	_ =	swait.ge @!p0 [sflag:s8], $0x0  }
0x24: {  	s3 =	sadd.s32 $0x88, s3;
	s6 =	simm.s32 @!p1 $0x1082;
	[sflag:s4] =	ssyncset.s32 $0xFFFFF086  }
0x25: {  	[simem:s6], [sflag:s4] =	dma.local [hbm:s3], $0xF7A  }
0x26: {  	[smem:$0x3F9E] =	sst s1;
	(tag) =	ssettag s2;
	_ =	strace s9  }
0x27: {  	s1 =	sld [smem:$0x3FAE]  }
0x28: {  	s2 =	sld [smem:$0x3FAF]  }
0x29: {  	s4 =	sld [smem:$0x3FB1]  }
0x2a: {  	p0 =	seq.s32 s5, $0x0;
	s5 =	sld [smem:$0x3FB2]  }
0x2b: {  	s6 =	sld [smem:$0x3FB3]  }
0x2c: {  	s7 =	sld [smem:$0x3FB4]  }
0x2d: {  	s3 =	simm.s32 $0x108;
	s8 =	sld [smem:$0x3FB5]  }
0x2e: {  	s3 =	simm.s32 @!p0 $0x1082;
	s9 =	sld [smem:$0x3FB6]  }
0x2f: {  	lr =	sadd.s32 s0, s3;
	s0 =	sld [smem:$0x3FAD]  }
0x30: {  	s3 =	sld [smem:$0x3FB0]  }
0x31: {  	[smem:$0x3FB9] =	sst s10  }
0x32: {  	s10 =	sld [smem:$0x3FB7];
	_ =	sdelay $0x3  }
0x33: {  	p0 =	seq.s32 s10, $0x1;
	s10 =	sld [smem:$0x3FB9];
	_ =	sdelay $0x3  }
0x34: {  	[smem:$0x3FB9] =	sst s10  }
0x35: {  	s10 =	sld [smem:$0x3FB8];
	_ =	sdelay $0x3  }
0x36: {  	p1 =	seq.s32 s10, $0x1;
	s10 =	sld [smem:$0x3FB9];
	_ =	sdelay $0x3  }
0x37: {  	[smem:$0x3FB9] =	sst s10  }
0x38: {  	s10 =	sld [smem:$0x3FBA]  }
0x39: {  	_ = 	snop;
	(pc) =	sbr.ind lr, $3  }
0x3a: {  	_ = 	snop  }
0x3b: {  	_ = 	snop  }
0x3c: {  	p2 =	seq.s32 s10, $0x1;
	s10 =	sld [smem:$0x3FB9]  }
0x3d: {  	_ =	shalt  }
0x3e: {  	_ =	shalt  }
0x3f: {  	_ =	shalt  }
0x40: {  	_ =	shalt  }
0x41: {  	_ =	shalt  }
0x42: {  	_ =	shalt  }
0x43: {  	_ =	shalt  }
0x44: {  	_ =	shalt  }
0x45: {  	_ =	shalt  }
0x46: {  	_ =	shalt  }
0x47: {  	_ =	shalt  }
0x48: {  	_ =	shalt  }
0x49: {  	_ =	shalt  }
0x4a: {  	_ =	shalt  }
0x4b: {  	_ =	shalt  }
0x4c: {  	_ =	shalt  }
0x4d: {  	_ =	shalt  }
0x4e: {  	_ =	shalt  }
0x4f: {  	_ =	shalt  }
0x50: {  	_ =	shalt  }
0x51: {  	_ =	shalt  }
0x52: {  	_ =	shalt  }
0x53: {  	_ =	shalt  }
0x54: {  	_ =	shalt  }
0x55: {  	_ =	shalt  }
0x56: {  	_ =	shalt  }
0x57: {  	_ =	shalt  }
0x58: {  	_ =	shalt  }
0x59: {  	_ =	shalt  }
0x5a: {  	_ =	shalt  }
0x5b: {  	_ =	shalt  }
0x5c: {  	_ =	shalt  }
0x5d: {  	_ =	shalt  }
0x5e: {  	_ =	shalt  }
0x5f: {  	_ =	shalt  }
0x60: {  	_ =	shalt  }
0x61: {  	_ =	shalt  }
0x62: {  	_ =	shalt  }
0x63: {  	_ =	shalt  }
0x64: {  	_ =	shalt  }
0x65: {  	_ =	shalt  }
0x66: {  	_ =	shalt  }
0x67: {  	_ =	shalt  }
0x68: {  	_ =	shalt  }
0x69: {  	_ =	shalt  }
0x6a: {  	_ =	shalt  }
0x6b: {  	_ =	shalt  }
0x6c: {  	_ =	shalt  }
0x6d: {  	_ =	shalt  }
0x6e: {  	_ =	shalt  }
0x6f: {  	_ =	shalt  }
0x70: {  	_ =	shalt  }
0x71: {  	_ =	shalt  }
0x72: {  	_ =	shalt  }
0x73: {  	_ =	shalt  }
0x74: {  	_ =	shalt  }
0x75: {  	_ =	shalt  }
0x76: {  	_ =	shalt  }
0x77: {  	_ =	shalt  }
0x78: {  	_ =	shalt  }
0x79: {  	_ =	shalt  }
0x7a: {  	_ =	shalt  }
0x7b: {  	_ =	shalt  }
0x7c: {  	_ =	shalt  }
0x7d: {  	_ =	shalt  }
0x7e: {  	_ =	shalt  }
0x7f: {  	_ =	shalt  }
0x80: {  	_ =	shalt  }
0x81: {  	_ =	shalt  }
0x82: {  	_ =	shalt  }
0x83: {  	_ =	shalt  }
0x84: {  	_ =	shalt  }
0x85: {  	_ =	shalt  }
0x86: {  	_ =	shalt  }
0x87: {  	_ =	shalt  }
.Lfunc_end0:
.L_simem_size_0:
called_computation_lowered:
.L_overlay_start_0:
0x88: {  	s2 =	sld [smem:$0x3FD9]  }
0x89: {  	s3 =	sld [smem:$0x3FFE];
	_ =	sdelay $0x1  }
0x8a: {  	s1 =	srdreg.scid  }
0x8b: {  	s0 =	sand.u32 $0x1, s1  }
0x8c: {  	s18 =	sshll.u32 s0, $0xA;
	s2 =	sadd.s32 s3, s2  }
0x8d: {  	s2 =	sadd.s32 s2, s18  }
0x8e: {  	[smem:$0x3FC5] =	sst s2  }
0x8f: {  	_ = 	snop  }
0x90: {  	s2 =	sld [smem:$0x3FC9]  }
0x91: {  	s19 =	sld [smem:$0x3FC8]  }
0x92: {  	s4 =	sld [smem:$0x3FC7]  }
0x93: {  	s5 =	sld [smem:$0x3FD0];
	(tm) =	ssettm $0x1  }
0x94: {  	s6 =	sld [smem:$0x3FFB];
	_ =	sdelay $0x3  }
0x95: {  	_ =	strace s6  }
0x96: {  	s6 =	sld [smem:$0x3FFC];
	_ =	sdelay $0x3  }
0x97: {  	_ =	strace s6  }
0x98: {  	s6 =	sld [smem:$0x3FFD];
	_ =	sdelay $0x3  }
0x99: {  	_ =	strace s6  }
0x9a: {  	_ =	strace $0x8FFFFFFF  }
0x9b: {  	s20 =	sld [smem:$0x3FDB];
	_ =	sdelay $0x1  }
0x9c: {  	s7 =	simm.s32 $_scs_section_size  }
0x9d: {  	s8 =	simm.s32 $_size__tile_overlayer_lowered;
	s9 =	simm.s32 $_tile_overlayer_lowered  }
0x9e: {  	s23 =	simm.s32 $0x1BFF;
	s22 =	sshll.u32 s9, $0x1;
	s6 =	sadd.s32 s7, s20  }
0x9f: {  	s10 =	simm.s32 $0x0;
	s21 =	sshll.u32 s8, $0x1;
	s8 =	sadd.s32 s22, s6  }
0xa0: {  	[timem:s10], [sflag:s23] =	dma.local [hbm:s8], s21  }
0xa1: {  	_ =	swait.ge [sflag:s23], s21  }
0xa2: {  	s7 =	ssub.s32 $0x0, s21;
	[sflag:s23] =	ssyncset.done $0x0  }
0xa3: {  	[sflag:s23] =	ssyncadd.s32 s7;
	_ =	sdelay $0x1  }
0xa4: {  	s24 =	simm.s32 $0x1B8B  }
0xa5: {  	_ =	swait.ge [sflag:s24], $0x1  }
0xa6: {  	[sflag:s24] =	ssyncset.done $0x0  }
0xa7: {  	s25 =	simm.s32 $0x1B8E;
	[sflag:s24] =	ssyncadd.s32 $0xFFFFFFFF  }
0xa8: {  	s26 =	simm.s32 $execute0_lowered;
	[smem:$0x3FD2] =	sst s25  }
0xa9: {  	s7 =	sshll.u32 s26, $0x1;
	_ =	strace $0x80000046;
	[dreg:$0x1] =	wrdreg $0xFFFFFFFF  }
0xaa: {  	s28 =	simm.s32 $_size_execute0_lowered;
	s6 =	sadd.s32 s6, s7;
	[dreg:$0x0] =	wrdreg $0x0  }
0xab: {  	s7 =	sshll.u32 s28, $0x1;
	[dreg:$0x2] =	wrdreg s6  }
0xac: {  	[dreg:$0x3] =	wrdreg s7  }
0xad: {  	[dreg:$0x4] =	wrdreg $0xC0  }
0xae: {  	_ =	task [dreg:s10], $0x5FFFF  }
0xaf: {  	[dreg:$0x1] =	wrdreg $0xFFFFFFFF  }
0xb0: {  	[dreg:$0x0] =	wrdreg $0x60  }
0xb1: {  	[dreg:$0x2] =	wrdreg s2  }
0xb2: {  	[dreg:$0x3] =	wrdreg s19  }
0xb3: {  	[dreg:$0x4] =	wrdreg s4  }
0xb4: {  	[dreg:$0x5] =	wrdreg s5  }
0xb5: {  	[dreg:$0x6] =	wrdreg $0x9  }
0xb6: {  	_ =	task.clear_ibuf [dreg:s10], $0x7FFFF;
	_ =	strace $0x90000046  }
0xb7: {  	s29 =	simm.s32 $0x9;
	_ =	strace $0x80000048  }
0xb8: {  	_ =	swait.ge [sflag:s29], $0x1  }
0xb9: {  	[sflag:s29] =	ssyncadd.s32 $0xFFFFFFFF  }
0xba: {  	_ =	strace $0x90000048  }
0xbb: {  	_ =	sfence  }
0xbc: {  	s30 =	sld [smem:$0x0];
	_ =	sdelay $0x2  }
0xbd: {  	s31 =	sshll.u32 s1, $0xD;
	s1 =	sshrl.u32 s1, $0x2  }
0xbe: {  	s3 =	sand.u32 $0x4000, s31;
	s1 =	sadd.s32 s1, s30  }
0xbf: {  	s0 =	sor.u32 s3, s0;
	s1 =	sshll.u32 s1, $0x11  }
0xc0: {  	s0 =	sor.u32 s1, s0  }
0xc1: {  	s0 =	sadd.s32 $0x8F2B, s0  }
0xc2: {  	[sflag:s0] =	ssyncadd.remote.s32 $0x1  }
0xc3: {  	_ =	sfence.sel $0xFFFF  }
0xc4: {  	[dreg:$0x0] =	wrdreg $0xFFFFFFFF;
	(pc) =	sbr.abs _section_cstart, $3  }
0xc5: {  	[dreg:$0x1] =	wrdreg $0xFFFFFFFF  }
0xc6: {  	_ =	task.clear_ibuf [dreg:s10], $0x2FFFF;
	_ =	strace $0x9FFFFFFF  }
0xc7: {  	(tm) =	ssettm $0x7FFFFFFF  }
tec
execute0_lowered:
.L_overlay_start_1:
0x0: {  	(tag) =	ssettag $0x1  }
0x1: {  	s1 =	rddreg [dreg:$0x0]  }
0x2: {  	s0 =	rddreg [dreg:$0x1];
	s2 =	srdreg.scid  }
0x3: {  	s8 =	stileid.u32;
	s9 =	rddreg [dreg:$0x3]  }
0x4: {  	s5 =	simm.s32 $0x0;
	s15 =	simm.s32 $0x1400;
	s30 =	simm.s32 $0x1C00  }
0x5: {  	s31 =	simm.s32 $0x2400;
	s13 =	simm.s32 $0x3C00;
	s10 =	simm.s32 $0x5C00  }
0x6: {  	s14 =	simm.s32 $0x6C00;
	s16 =	simm.s32 $0x7C00;
	s17 =	simm.s32 $0x8400  }
0x7: {  	s18 =	simm.s32 $0x8C00;
	s19 =	simm.s32 $0x10400;
	s20 =	simm.s32 $0x10C00  }
0x8: {  	s21 =	simm.s32 $0x1;
	s22 =	simm.s32 $0x3;
	s23 =	simm.s32 $0x2  }
0x9: {  	s2 =	sand.u32 $0x1, s2;
	s3 =	sshll.u32 s8, $0x1;
	[smem:$0x7FF] =	sst s5  }
0xa: {  	s26 =	sshll.u32 s8, $0x6;
	s8 =	sshll.u32 s8, $0x12;
	s11 =	sor.u32 s2, s3  }
0xb: {  	s4 =	ssub.s32 $0x2, s2;
	_ =	strace $0x80000047;
	s25 =	sshll.u32 s2, $0x5  }
0xc: {  	s28 =	sadd.s32 s8, s9;
	s2 =	sshll.u32 s2, $0x11;
	s3 =	simm.s32 $0x3400  }
0xd: {  	s8 =	simm.s32 $0x4400;
	s6 =	sshll.u32 s11, $0x5;
	s7 =	sshrl.u32 s4, $0x1  }
0xe: {  	s24 =	sshll.u32 s11, $0x9;
	s2 =	sadd.s32 s2, s28;
	p0 =	sne.s32 s11, $0x1F  }
0xf: {  	s4 =	ssub.s32 s4, s7;
	s7 =	sadd.s32 s0, s24;
	[dreg:$0x8] =	wrdreg s2  }
0x10: {  	s6 =	sxor.u32 $0x3FA, s6;
	s0 =	sadd.s32 $0x3F80, s0;
	[dreg:$0x5] =	wrdreg s7  }
0x11: {  	s11 =	simm.s32 $0x6400;
	s6 =	smin.u32 s6, $0x20;
	[dreg:$0x6] =	wrdreg s0  }
0x12: {  	s4 =	smax.u32 s4, $0x1;
	s0 =	sor.u32 s26, s25;
	s25 =	simm.s32 $0x0  }
.Ltmp0:
0x13: {  	s6 =	sshrl.u32 s6, $0x1;
	[dreg:$0x7] =	wrdreg s4;
	(pc) =	sbr.rel .LBB2_1-.Ltmp0, $4  }
0x14: {  	s7 =	sshll.u32 s0, $0xC;
	s0 =	sxor.u32 $0x3FA, s0;
	s4 =	simm.s32 $0x7400  }
0x15: {  	v2 =	vlaneseq.u32;
	s29 =	sadd.s32 s7, s9;
	s0 =	smin.u32 s0, $0x20;
	s7 =	simm.s32 $0x4C00  }
0x16: {  	vm0 =	vmmov $0xffff;
	v1 =	vshrl.u32 v2, $0x3;
	s9 =	simm.s32 $0x5400;
	s2 =	sadd.s32 $0x1000, s29;
	s12 =	sshrl.u32 s0, $0x1  }
0x17: {  	v0 =	vand.u32 $0x7, v2;
	v2 =	vor.u32 $0x8, v2;
	v1 =	vmul.u32 $0x8, v1;
	s0 =	simm.s32 $0x2C00;
	[dreg:$0x9] =	wrdreg s2;
	s2 =	simm.s32 $0x9400  }
.LBB2_7:
0x18: {  	s25 =	sadd.s32 $0x1, s25;
	s24 =	rddreg [dreg:$0x7]  }
0x19: {  	p1 =	sne.s32 s25, s24  }
.Ltmp1:
0x1a: {  	_ = 	snop;
	(pc) =	sbr.rel @!p1 .LBB2_8-.Ltmp1, $1  }
0x1b: {  	_ =	sdelay $0x3  }
.LBB2_1:
0x1c: {  	[dreg:$0xa] =	wrdreg s25  }
0x1d: {  	s24 =	rddreg [dreg:$0x2];
	s29 =	simm.s32 $0x11400;
	s26 =	simm.s32 $0x4  }
0x1e: {  	[tilespmem:s29], [sflag:$0x4] =	stream.linear.gather [hbm4b:s24+s5], $0x80, $0x38;
	[tilespmem:$0x11480] =	vst v63  }
0x1f: {  	_ =	swait.ge [sflag:s26], $0x80  }
0x20: {  	[sflag:s26] =	ssyncset.done $0x0  }
0x21: {  	[sflag:s26] =	ssyncadd.s32 $0xFFFFFF80  }
0x22: {  	v3 =	vld [tilespmem:$0x11400];
	_ =	sdelay $0x4  }
0x23: {  	(v2sf) =	vpush v3, $0x0;
	_ =	sdelay $0xe  }
0x24: {  	s25 =	spop (v2sf)  }
0x25: {  	s24 =	simm.s32 $0x0;
	p1 =	seq.s32 s25, $0x0  }
0x26: {  	s29 =	rddreg [dreg:$0x5];
	s24 =	simm.s32 @!p1 $0x4000  }
0x27: {  	s24 =	sadd.s32 s24, s29  }
0x28: {  	[tilespmem:s5], [sflag:$0x4] =	stream.linear.gather [hbm4b:s24+s5], $0x1000, $0x38;
	[tilespmem:$0x11480] =	vst v63  }
0x29: {  	_ =	swait.ge [sflag:s26], $0x1000  }
0x2a: {  	[sflag:s26] =	ssyncset.done $0x0  }
0x2b: {  	[sflag:s26] =	ssyncadd.s32 $0xFFFFF000  }
0x2c: {  	v3 =	vld [tilespmem:$0x0];
	_ =	sdelay $0x4  }
0x2d: {  	v4 =	vshll.u32 v3, $0x1  }
0x2e: {  	v3 =	vand.u32 $0x7, v3;
	v4 =	vand.u32 $0xFFFFFFF0, v4  }
0x2f: {  	v3 =	vor.u32 v3, v4  }
0x30: {  	v4 =	vperm.xlane v3, v0;
	_ =	sdelay $0x1  }
0x31: {  	v3 =	vperm.xlane v3, v2;
	v4 =	vadd.s32 v1, v4;
	_ =	sdelay $0x1  }
0x32: {  	v3 =	vadd.s32 v1, v3;
	_ =	sdelay $0x2  }
0x33: {  	[tilespmem:s15], [sflag:$0x1] =	stream.indirect_vreg.gather [hbm4b:s1+s5], $0x80, v4, vm0, $0xb8;
	[tilespmem:$0x11480] =	vst v63  }
0x34: {  	_ = 	snop  }
0x35: {  	[tilespmem:s30], [sflag:$0x1] =	stream.indirect_vreg.gather [hbm4b:s1+s5], $0x80, v3, vm0, $0xb8;
	[tilespmem:$0x11480] =	vst v63  }
0x36: {  	v3 =	vld [tilespmem:$0x10];
	_ =	sdelay $0x4  }
0x37: {  	v57 =	vshll.u32 v3, $0x1  }
0x38: {  	v3 =	vand.u32 $0x7, v3;
	v4 =	vand.u32 $0xFFFFFFF0, v57  }
0x39: {  	v3 =	vor.u32 v3, v4  }
0x3a: {  	v4 =	vperm.xlane v3, v0;
	_ =	sdelay $0x1  }
0x3b: {  	v3 =	vperm.xlane v3, v2;
	v4 =	vadd.s32 v1, v4;
	_ =	sdelay $0x1  }
0x3c: {  	v3 =	vadd.s32 v1, v3;
	_ =	sdelay $0x2  }
0x3d: {  	[tilespmem:s31], [sflag:$0x1] =	stream.indirect_vreg.gather [hbm4b:s1+s5], $0x80, v4, vm0, $0xb8;
	[tilespmem:$0x11480] =	vst v63  }
0x3e: {  	_ = 	snop  }
0x3f: {  	[tilespmem:s0], [sflag:$0x1] =	stream.indirect_vreg.gather [hbm4b:s1+s5], $0x80, v3, vm0, $0xb8;
	[tilespmem:$0x11480] =	vst v63  }
0x40: {  	v3 =	vld [tilespmem:$0x20];
	_ =	sdelay $0x4  }
0x41: {  	v58 =	vshll.u32 v3, $0x1  }
0x42: {  	v3 =	vand.u32 $0x7, v3;
	v4 =	vand.u32 $0xFFFFFFF0, v58  }
0x43: {  	v3 =	vor.u32 v3, v4  }
0x44: {  	v4 =	vperm.xlane v3, v0;
	_ =	sdelay $0x1  }
0x45: {  	v3 =	vperm.xlane v3, v2;
	v4 =	vadd.s32 v1, v4;
	_ =	sdelay $0x1  }
0x46: {  	v3 =	vadd.s32 v1, v3;
	_ =	sdelay $0x2  }
0x47: {  	[tilespmem:s3], [sflag:$0x1] =	stream.indirect_vreg.gather [hbm4b:s1+s5], $0x80, v4, vm0, $0xb8;
	[tilespmem:$0x11480] =	vst v63  }
0x48: {  	_ = 	snop  }
0x49: {  	[tilespmem:s13], [sflag:$0x1] =	stream.indirect_vreg.gather [hbm4b:s1+s5], $0x80, v3, vm0, $0xb8;
	[tilespmem:$0x11480] =	vst v63  }
0x4a: {  	v3 =	vld [tilespmem:$0x30];
	_ =	sdelay $0x4  }
0x4b: {  	v59 =	vshll.u32 v3, $0x1  }
0x4c: {  	v3 =	vand.u32 $0x7, v3;
	v4 =	vand.u32 $0xFFFFFFF0, v59  }
0x4d: {  	v3 =	vor.u32 v3, v4  }
0x4e: {  	v4 =	vperm.xlane v3, v0;
	_ =	sdelay $0x1  }
0x4f: {  	v3 =	vperm.xlane v3, v2;
	v4 =	vadd.s32 v1, v4;
	_ =	sdelay $0x1  }
0x50: {  	v3 =	vadd.s32 v1, v3;
	_ =	sdelay $0x2  }
0x51: {  	[tilespmem:s8], [sflag:$0x1] =	stream.indirect_vreg.gather [hbm4b:s1+s5], $0x80, v4, vm0, $0xb8;
	[tilespmem:$0x11480] =	vst v63  }
0x52: {  	_ = 	snop  }
0x53: {  	[tilespmem:s7], [sflag:$0x1] =	stream.indirect_vreg.gather [hbm4b:s1+s5], $0x80, v3, vm0, $0xb8;
	[tilespmem:$0x11480] =	vst v63  }
0x54: {  	v3 =	vld [tilespmem:$0x40];
	_ =	sdelay $0x4  }
0x55: {  	v60 =	vshll.u32 v3, $0x1  }
0x56: {  	v3 =	vand.u32 $0x7, v3;
	v4 =	vand.u32 $0xFFFFFFF0, v60  }
0x57: {  	v3 =	vor.u32 v3, v4  }
0x58: {  	v4 =	vperm.xlane v3, v0;
	_ =	sdelay $0x1  }
0x59: {  	v3 =	vperm.xlane v3, v2;
	v4 =	vadd.s32 v1, v4;
	_ =	sdelay $0x1  }
0x5a: {  	v3 =	vadd.s32 v1, v3;
	_ =	sdelay $0x2  }
0x5b: {  	[tilespmem:s9], [sflag:$0x1] =	stream.indirect_vreg.gather [hbm4b:s1+s5], $0x80, v4, vm0, $0xb8;
	[tilespmem:$0x11480] =	vst v63  }
0x5c: {  	_ = 	snop  }
0x5d: {  	[tilespmem:s10], [sflag:$0x1] =	stream.indirect_vreg.gather [hbm4b:s1+s5], $0x80, v3, vm0, $0xb8;
	[tilespmem:$0x11480] =	vst v63  }
0x5e: {  	v3 =	vld [tilespmem:$0x50];
	_ =	sdelay $0x4  }
0x5f: {  	v61 =	vshll.u32 v3, $0x1  }
0x60: {  	v3 =	vand.u32 $0x7, v3;
	v4 =	vand.u32 $0xFFFFFFF0, v61  }
0x61: {  	v3 =	vor.u32 v3, v4  }
0x62: {  	v4 =	vperm.xlane v3, v0;
	_ =	sdelay $0x1  }
0x63: {  	v3 =	vperm.xlane v3, v2;
	v4 =	vadd.s32 v1, v4;
	_ =	sdelay $0x1  }
0x64: {  	v3 =	vadd.s32 v1, v3;
	_ =	sdelay $0x2  }
0x65: {  	[tilespmem:s11], [sflag:$0x1] =	stream.indirect_vreg.gather [hbm4b:s1+s5], $0x80, v4, vm0, $0xb8;
	[tilespmem:$0x11480] =	vst v63  }
0x66: {  	_ = 	snop  }
0x67: {  	[tilespmem:s14], [sflag:$0x1] =	stream.indirect_vreg.gather [hbm4b:s1+s5], $0x80, v3, vm0, $0xb8;
	[tilespmem:$0x11480] =	vst v63  }
0x68: {  	v3 =	vld [tilespmem:$0x60];
	_ =	sdelay $0x4  }
0x69: {  	v62 =	vshll.u32 v3, $0x1  }
0x6a: {  	v3 =	vand.u32 $0x7, v3;
	v4 =	vand.u32 $0xFFFFFFF0, v62  }
0x6b: {  	v3 =	vor.u32 v3, v4  }
0x6c: {  	v4 =	vperm.xlane v3, v0;
	_ =	sdelay $0x1  }
0x6d: {  	v3 =	vperm.xlane v3, v2;
	v4 =	vadd.s32 v1, v4;
	_ =	sdelay $0x1  }
0x6e: {  	v3 =	vadd.s32 v1, v3;
	_ =	sdelay $0x2  }
0x6f: {  	[tilespmem:s4], [sflag:$0x1] =	stream.indirect_vreg.gather [hbm4b:s1+s5], $0x80, v4, vm0, $0xb8;
	[tilespmem:$0x11480] =	vst v63  }
0x70: {  	_ = 	snop  }
0x71: {  	[tilespmem:s16], [sflag:$0x1] =	stream.indirect_vreg.gather [hbm4b:s1+s5], $0x80, v3, vm0, $0xb8;
	[tilespmem:$0x11480] =	vst v63  }
0x72: {  	v3 =	vld [tilespmem:$0x70];
	_ =	sdelay $0x4  }
0x73: {  	v63 =	vshll.u32 v3, $0x1  }
0x74: {  	v3 =	vand.u32 $0x7, v3;
	v4 =	vand.u32 $0xFFFFFFF0, v63  }
0x75: {  	v3 =	vor.u32 v3, v4  }
0x76: {  	v4 =	vperm.xlane v3, v0;
	_ =	sdelay $0x1  }
0x77: {  	v3 =	vperm.xlane v3, v2;
	v4 =	vadd.s32 v1, v4;
	_ =	sdelay $0x1  }
0x78: {  	v3 =	vadd.s32 v1, v3  }
.Ltmp2:
0x79: {  	_ = 	snop;
	(pc) =	sbr.rel .LBB2_2-.Ltmp2, $4  }
0x7a: {  	s25 =	rddreg [dreg:$0x9]  }
0x7b: {  	[tilespmem:s17], [sflag:$0x1] =	stream.indirect_vreg.gather [hbm4b:s1+s5], $0x80, v4, vm0, $0xb8;
	[tilespmem:$0x11480] =	vst v63  }
0x7c: {  	s28 =	simm.s32 $0x0;
	s24 =	simm.s32 $0xC0;
	s26 =	rddreg [dreg:$0x8]  }
0x7d: {  	[tilespmem:s18], [sflag:$0x1] =	stream.indirect_vreg.gather [hbm4b:s1+s5], $0x80, v3, vm0, $0xb8;
	[tilespmem:$0x11480] =	vst v63  }
.LBB2_4:
0x7e: {  	p1 =	sne.s32 s12, s28  }
.Ltmp3:
0x7f: {  	_ =	swait.ge [sflag:s23], $0x8000;
	(pc) =	sbr.rel @!p1 .LBB2_5-.Ltmp3, $4  }
0x80: {  	[sflag:s23] =	ssyncset.done $0x0  }
0x81: {  	[sflag:s23] =	ssyncadd.s32 $0xFFFF8000  }
0x82: {  	[hbm4b:s25+s5] =	stream.linear.scatter [tilespmem:s2], [sflag:$0x3], $0x8000, $0x38;
	[tilespmem:$0x11480] =	vst v63  }
0x83: {  	s26 =	sadd.s32 $0x2000, s26;
	s24 =	sadd.s32 $0x100, s24;
	s25 =	sadd.s32 $0x2000, s25  }
.LBB2_2:
0x84: {  	p1 =	seq.s32 s28, $0x0  }
0x85: {  	s29 =	simm.s32 @!p1 $0x3  }
0x86: {  	_ =	swait.ge @!p1 [sflag:s29], $0x8000  }
0x87: {  	[sflag:s29] =	ssyncset.done @!p1 $0x0  }
0x88: {  	[sflag:s29] =	ssyncadd.s32 @!p1 $0xFFFF8000  }
0x89: {  	v3 =	vld [tilespmem:s24+$0xFFFFFFC0];
	_ =	sdelay $0x4  }
0x8a: {  	v4 =	vshll.u32 v3, $0x1  }
0x8b: {  	v3 =	vand.u32 $0x7, v3;
	v4 =	vand.u32 $0xFFFFFFF0, v4  }
0x8c: {  	v3 =	vor.u32 v3, v4  }
0x8d: {  	v4 =	vperm.xlane v3, v0;
	_ =	sdelay $0x1  }
0x8e: {  	v3 =	vperm.xlane v3, v2;
	v4 =	vadd.s32 v1, v4;
	_ =	sdelay $0x1  }
0x8f: {  	v3 =	vadd.s32 v1, v3;
	_ =	sdelay $0x2  }
0x90: {  	[tilespmem:s2], [sflag:$0x2] =	stream.indirect_vreg.gather [hbm4b:s1+s5], $0x80, v4, vm0, $0xb8;
	[tilespmem:$0x11480] =	vst v63  }
0x91: {  	s29 =	simm.s32 $0x9C00  }
0x92: {  	[tilespmem:s29], [sflag:$0x2] =	stream.indirect_vreg.gather [hbm4b:s1+s5], $0x80, v3, vm0, $0xb8;
	[tilespmem:$0x11480] =	vst v63  }
0x93: {  	v3 =	vld [tilespmem:s24+$0xFFFFFFD0];
	_ =	sdelay $0x4  }
0x94: {  	v57 =	vshll.u32 v3, $0x1  }
0x95: {  	v3 =	vand.u32 $0x7, v3;
	v4 =	vand.u32 $0xFFFFFFF0, v57  }
0x96: {  	v3 =	vor.u32 v3, v4  }
0x97: {  	v4 =	vperm.xlane v3, v0;
	_ =	sdelay $0x1  }
0x98: {  	v3 =	vperm.xlane v3, v2;
	v4 =	vadd.s32 v1, v4;
	_ =	sdelay $0x1  }
0x99: {  	v3 =	vadd.s32 v1, v3;
	_ =	sdelay $0x1  }
0x9a: {  	s29 =	simm.s32 $0xA400  }
0x9b: {  	[tilespmem:s29], [sflag:$0x2] =	stream.indirect_vreg.gather [hbm4b:s1+s5], $0x80, v4, vm0, $0xb8;
	[tilespmem:$0x11480] =	vst v63  }
0x9c: {  	s29 =	simm.s32 $0xAC00  }
0x9d: {  	[tilespmem:s29], [sflag:$0x2] =	stream.indirect_vreg.gather [hbm4b:s1+s5], $0x80, v3, vm0, $0xb8;
	[tilespmem:$0x11480] =	vst v63  }
0x9e: {  	v3 =	vld [tilespmem:s24+$0xFFFFFFE0];
	_ =	sdelay $0x4  }
0x9f: {  	v58 =	vshll.u32 v3, $0x1  }
0xa0: {  	v3 =	vand.u32 $0x7, v3;
	v4 =	vand.u32 $0xFFFFFFF0, v58  }
0xa1: {  	v3 =	vor.u32 v3, v4  }
0xa2: {  	v4 =	vperm.xlane v3, v0;
	_ =	sdelay $0x1  }
0xa3: {  	v3 =	vperm.xlane v3, v2;
	v4 =	vadd.s32 v1, v4;
	_ =	sdelay $0x1  }
0xa4: {  	v3 =	vadd.s32 v1, v3;
	_ =	sdelay $0x1  }
0xa5: {  	s29 =	simm.s32 $0xB400  }
0xa6: {  	[tilespmem:s29], [sflag:$0x2] =	stream.indirect_vreg.gather [hbm4b:s1+s5], $0x80, v4, vm0, $0xb8;
	[tilespmem:$0x11480] =	vst v63  }
0xa7: {  	s29 =	simm.s32 $0xBC00  }
0xa8: {  	[tilespmem:s29], [sflag:$0x2] =	stream.indirect_vreg.gather [hbm4b:s1+s5], $0x80, v3, vm0, $0xb8;
	[tilespmem:$0x11480] =	vst v63  }
0xa9: {  	v3 =	vld [tilespmem:s24+$0xFFFFFFF0];
	_ =	sdelay $0x4  }
0xaa: {  	v59 =	vshll.u32 v3, $0x1  }
0xab: {  	v3 =	vand.u32 $0x7, v3;
	v4 =	vand.u32 $0xFFFFFFF0, v59  }
0xac: {  	v3 =	vor.u32 v3, v4  }
0xad: {  	v4 =	vperm.xlane v3, v0;
	_ =	sdelay $0x1  }
0xae: {  	v3 =	vperm.xlane v3, v2;
	v4 =	vadd.s32 v1, v4;
	_ =	sdelay $0x1  }
0xaf: {  	v3 =	vadd.s32 v1, v3;
	_ =	sdelay $0x1  }
0xb0: {  	s29 =	simm.s32 $0xC400  }
0xb1: {  	[tilespmem:s29], [sflag:$0x2] =	stream.indirect_vreg.gather [hbm4b:s1+s5], $0x80, v4, vm0, $0xb8;
	[tilespmem:$0x11480] =	vst v63  }
0xb2: {  	s29 =	simm.s32 $0xCC00  }
0xb3: {  	[tilespmem:s29], [sflag:$0x2] =	stream.indirect_vreg.gather [hbm4b:s1+s5], $0x80, v3, vm0, $0xb8;
	[tilespmem:$0x11480] =	vst v63  }
0xb4: {  	v3 =	vld [tilespmem:s24+$0x0];
	_ =	sdelay $0x4  }
0xb5: {  	v60 =	vshll.u32 v3, $0x1  }
0xb6: {  	v3 =	vand.u32 $0x7, v3;
	v4 =	vand.u32 $0xFFFFFFF0, v60  }
0xb7: {  	v3 =	vor.u32 v3, v4  }
0xb8: {  	v4 =	vperm.xlane v3, v0;
	_ =	sdelay $0x1  }
0xb9: {  	v3 =	vperm.xlane v3, v2;
	v4 =	vadd.s32 v1, v4;
	_ =	sdelay $0x1  }
0xba: {  	v3 =	vadd.s32 v1, v3;
	_ =	sdelay $0x1  }
0xbb: {  	s29 =	simm.s32 $0xD400  }
0xbc: {  	[tilespmem:s29], [sflag:$0x2] =	stream.indirect_vreg.gather [hbm4b:s1+s5], $0x80, v4, vm0, $0xb8;
	[tilespmem:$0x11480] =	vst v63  }
0xbd: {  	s29 =	simm.s32 $0xDC00  }
0xbe: {  	[tilespmem:s29], [sflag:$0x2] =	stream.indirect_vreg.gather [hbm4b:s1+s5], $0x80, v3, vm0, $0xb8;
	[tilespmem:$0x11480] =	vst v63  }
0xbf: {  	v3 =	vld [tilespmem:s24+$0x10];
	_ =	sdelay $0x4  }
0xc0: {  	v61 =	vshll.u32 v3, $0x1  }
0xc1: {  	v3 =	vand.u32 $0x7, v3;
	v4 =	vand.u32 $0xFFFFFFF0, v61  }
0xc2: {  	v3 =	vor.u32 v3, v4  }
0xc3: {  	v4 =	vperm.xlane v3, v0;
	_ =	sdelay $0x1  }
0xc4: {  	v3 =	vperm.xlane v3, v2;
	v4 =	vadd.s32 v1, v4;
	_ =	sdelay $0x1  }
0xc5: {  	v3 =	vadd.s32 v1, v3;
	_ =	sdelay $0x1  }
0xc6: {  	s29 =	simm.s32 $0xE400  }
0xc7: {  	[tilespmem:s29], [sflag:$0x2] =	stream.indirect_vreg.gather [hbm4b:s1+s5], $0x80, v4, vm0, $0xb8;
	[tilespmem:$0x11480] =	vst v63  }
0xc8: {  	s29 =	simm.s32 $0xEC00  }
0xc9: {  	[tilespmem:s29], [sflag:$0x2] =	stream.indirect_vreg.gather [hbm4b:s1+s5], $0x80, v3, vm0, $0xb8;
	[tilespmem:$0x11480] =	vst v63  }
0xca: {  	v3 =	vld [tilespmem:s24+$0x20];
	_ =	sdelay $0x4  }
0xcb: {  	v62 =	vshll.u32 v3, $0x1  }
0xcc: {  	v3 =	vand.u32 $0x7, v3;
	v4 =	vand.u32 $0xFFFFFFF0, v62  }
0xcd: {  	v3 =	vor.u32 v3, v4  }
0xce: {  	v4 =	vperm.xlane v3, v0;
	_ =	sdelay $0x1  }
0xcf: {  	v3 =	vperm.xlane v3, v2;
	v4 =	vadd.s32 v1, v4;
	_ =	sdelay $0x1  }
0xd0: {  	v3 =	vadd.s32 v1, v3;
	_ =	sdelay $0x1  }
0xd1: {  	s29 =	simm.s32 $0xF400  }
0xd2: {  	[tilespmem:s29], [sflag:$0x2] =	stream.indirect_vreg.gather [hbm4b:s1+s5], $0x80, v4, vm0, $0xb8;
	[tilespmem:$0x11480] =	vst v63  }
0xd3: {  	s29 =	simm.s32 $0xFC00  }
0xd4: {  	[tilespmem:s29], [sflag:$0x2] =	stream.indirect_vreg.gather [hbm4b:s1+s5], $0x80, v3, vm0, $0xb8;
	[tilespmem:$0x11480] =	vst v63  }
0xd5: {  	v3 =	vld [tilespmem:s24+$0x30];
	_ =	sdelay $0x4  }
0xd6: {  	v63 =	vshll.u32 v3, $0x1  }
0xd7: {  	v3 =	vand.u32 $0x7, v3;
	v4 =	vand.u32 $0xFFFFFFF0, v63  }
0xd8: {  	v3 =	vor.u32 v3, v4  }
0xd9: {  	v4 =	vperm.xlane v3, v0;
	_ =	sdelay $0x1  }
0xda: {  	v3 =	vperm.xlane v3, v2;
	v4 =	vadd.s32 v1, v4;
	_ =	sdelay $0x1  }
0xdb: {  	v3 =	vadd.s32 v1, v3;
	_ =	sdelay $0x1  }
0xdc: {  	s28 =	sadd.s32 $0x1, s28  }
0xdd: {  	[tilespmem:s19], [sflag:$0x2] =	stream.indirect_vreg.gather [hbm4b:s1+s5], $0x80, v4, vm0, $0xb8;
	[tilespmem:$0x11480] =	vst v63  }
0xde: {  	p1 =	sge.u32 s28, s6  }
0xdf: {  	[tilespmem:s20], [sflag:$0x2] =	stream.indirect_vreg.gather [hbm4b:s1+s5], $0x80, v3, vm0, $0xb8;
	[tilespmem:$0x11480] =	vst v63  }
.Ltmp4:
0xe0: {  	_ = 	snop;
	(pc) =	sbr.rel @p1 .LBB2_4-.Ltmp4, $4  }
0xe1: {  	_ =	swait.ge [sflag:s21], $0x8000  }
0xe2: {  	[sflag:s21] =	ssyncset.done $0x0  }
0xe3: {  	[sflag:s21] =	ssyncadd.s32 $0xFFFF8000  }
0xe4: {  	[hbm4b:s26+s5] =	stream.linear.scatter [tilespmem:s15], [sflag:$0x3], $0x8000, $0x38;
	[tilespmem:$0x11480] =	vst v63  }
0xe5: {  	_ =	swait.ge [sflag:s22], $0x8000  }
0xe6: {  	[sflag:s22] =	ssyncset.done $0x0  }
0xe7: {  	[sflag:s22] =	ssyncadd.s32 $0xFFFF8000  }
0xe8: {  	v3 =	vld [tilespmem:s24+$0x40];
	_ =	sdelay $0x4  }
0xe9: {  	v4 =	vshll.u32 v3, $0x1  }
0xea: {  	v3 =	vand.u32 $0x7, v3;
	v4 =	vand.u32 $0xFFFFFFF0, v4  }
0xeb: {  	v3 =	vor.u32 v3, v4  }
0xec: {  	v4 =	vperm.xlane v3, v0;
	_ =	sdelay $0x1  }
0xed: {  	v3 =	vperm.xlane v3, v2;
	v4 =	vadd.s32 v1, v4;
	_ =	sdelay $0x1  }
0xee: {  	v3 =	vadd.s32 v1, v3;
	_ =	sdelay $0x2  }
0xef: {  	[tilespmem:s15], [sflag:$0x1] =	stream.indirect_vreg.gather [hbm4b:s1+s5], $0x80, v4, vm0, $0xb8;
	[tilespmem:$0x11480] =	vst v63  }
0xf0: {  	_ = 	snop  }
0xf1: {  	[tilespmem:s30], [sflag:$0x1] =	stream.indirect_vreg.gather [hbm4b:s1+s5], $0x80, v3, vm0, $0xb8;
	[tilespmem:$0x11480] =	vst v63  }
0xf2: {  	v3 =	vld [tilespmem:s24+$0x50];
	_ =	sdelay $0x4  }
0xf3: {  	v57 =	vshll.u32 v3, $0x1  }
0xf4: {  	v3 =	vand.u32 $0x7, v3;
	v4 =	vand.u32 $0xFFFFFFF0, v57  }
0xf5: {  	v3 =	vor.u32 v3, v4  }
0xf6: {  	v4 =	vperm.xlane v3, v0;
	_ =	sdelay $0x1  }
0xf7: {  	v3 =	vperm.xlane v3, v2;
	v4 =	vadd.s32 v1, v4;
	_ =	sdelay $0x1  }
0xf8: {  	v3 =	vadd.s32 v1, v3;
	_ =	sdelay $0x2  }
0xf9: {  	[tilespmem:s31], [sflag:$0x1] =	stream.indirect_vreg.gather [hbm4b:s1+s5], $0x80, v4, vm0, $0xb8;
	[tilespmem:$0x11480] =	vst v63  }
0xfa: {  	_ = 	snop  }
0xfb: {  	[tilespmem:s0], [sflag:$0x1] =	stream.indirect_vreg.gather [hbm4b:s1+s5], $0x80, v3, vm0, $0xb8;
	[tilespmem:$0x11480] =	vst v63  }
0xfc: {  	v3 =	vld [tilespmem:s24+$0x60];
	_ =	sdelay $0x4  }
0xfd: {  	v58 =	vshll.u32 v3, $0x1  }
0xfe: {  	v3 =	vand.u32 $0x7, v3;
	v4 =	vand.u32 $0xFFFFFFF0, v58  }
0xff: {  	v3 =	vor.u32 v3, v4  }
0x100: {  	v4 =	vperm.xlane v3, v0;
	_ =	sdelay $0x1  }
0x101: {  	v3 =	vperm.xlane v3, v2;
	v4 =	vadd.s32 v1, v4;
	_ =	sdelay $0x1  }
0x102: {  	v3 =	vadd.s32 v1, v3;
	_ =	sdelay $0x2  }
0x103: {  	[tilespmem:s3], [sflag:$0x1] =	stream.indirect_vreg.gather [hbm4b:s1+s5], $0x80, v4, vm0, $0xb8;
	[tilespmem:$0x11480] =	vst v63  }
0x104: {  	_ = 	snop  }
0x105: {  	[tilespmem:s13], [sflag:$0x1] =	stream.indirect_vreg.gather [hbm4b:s1+s5], $0x80, v3, vm0, $0xb8;
	[tilespmem:$0x11480] =	vst v63  }
0x106: {  	v3 =	vld [tilespmem:s24+$0x70];
	_ =	sdelay $0x4  }
0x107: {  	v59 =	vshll.u32 v3, $0x1  }
0x108: {  	v3 =	vand.u32 $0x7, v3;
	v4 =	vand.u32 $0xFFFFFFF0, v59  }
0x109: {  	v3 =	vor.u32 v3, v4  }
0x10a: {  	v4 =	vperm.xlane v3, v0;
	_ =	sdelay $0x1  }
0x10b: {  	v3 =	vperm.xlane v3, v2;
	v4 =	vadd.s32 v1, v4;
	_ =	sdelay $0x1  }
0x10c: {  	v3 =	vadd.s32 v1, v3;
	_ =	sdelay $0x2  }
0x10d: {  	[tilespmem:s8], [sflag:$0x1] =	stream.indirect_vreg.gather [hbm4b:s1+s5], $0x80, v4, vm0, $0xb8;
	[tilespmem:$0x11480] =	vst v63  }
0x10e: {  	_ = 	snop  }
0x10f: {  	[tilespmem:s7], [sflag:$0x1] =	stream.indirect_vreg.gather [hbm4b:s1+s5], $0x80, v3, vm0, $0xb8;
	[tilespmem:$0x11480] =	vst v63  }
0x110: {  	v3 =	vld [tilespmem:s24+$0x80];
	_ =	sdelay $0x4  }
0x111: {  	v60 =	vshll.u32 v3, $0x1  }
0x112: {  	v3 =	vand.u32 $0x7, v3;
	v4 =	vand.u32 $0xFFFFFFF0, v60  }
0x113: {  	v3 =	vor.u32 v3, v4  }
0x114: {  	v4 =	vperm.xlane v3, v0;
	_ =	sdelay $0x1  }
0x115: {  	v3 =	vperm.xlane v3, v2;
	v4 =	vadd.s32 v1, v4;
	_ =	sdelay $0x1  }
0x116: {  	v3 =	vadd.s32 v1, v3;
	_ =	sdelay $0x2  }
0x117: {  	[tilespmem:s9], [sflag:$0x1] =	stream.indirect_vreg.gather [hbm4b:s1+s5], $0x80, v4, vm0, $0xb8;
	[tilespmem:$0x11480] =	vst v63  }
0x118: {  	_ = 	snop  }
0x119: {  	[tilespmem:s10], [sflag:$0x1] =	stream.indirect_vreg.gather [hbm4b:s1+s5], $0x80, v3, vm0, $0xb8;
	[tilespmem:$0x11480] =	vst v63  }
0x11a: {  	v3 =	vld [tilespmem:s24+$0x90];
	_ =	sdelay $0x4  }
0x11b: {  	v61 =	vshll.u32 v3, $0x1  }
0x11c: {  	v3 =	vand.u32 $0x7, v3;
	v4 =	vand.u32 $0xFFFFFFF0, v61  }
0x11d: {  	v3 =	vor.u32 v3, v4  }
0x11e: {  	v4 =	vperm.xlane v3, v0;
	_ =	sdelay $0x1  }
0x11f: {  	v3 =	vperm.xlane v3, v2;
	v4 =	vadd.s32 v1, v4;
	_ =	sdelay $0x1  }
0x120: {  	v3 =	vadd.s32 v1, v3;
	_ =	sdelay $0x2  }
0x121: {  	[tilespmem:s11], [sflag:$0x1] =	stream.indirect_vreg.gather [hbm4b:s1+s5], $0x80, v4, vm0, $0xb8;
	[tilespmem:$0x11480] =	vst v63  }
0x122: {  	_ = 	snop  }
0x123: {  	[tilespmem:s14], [sflag:$0x1] =	stream.indirect_vreg.gather [hbm4b:s1+s5], $0x80, v3, vm0, $0xb8;
	[tilespmem:$0x11480] =	vst v63  }
0x124: {  	v3 =	vld [tilespmem:s24+$0xA0];
	_ =	sdelay $0x4  }
0x125: {  	v62 =	vshll.u32 v3, $0x1  }
0x126: {  	v3 =	vand.u32 $0x7, v3;
	v4 =	vand.u32 $0xFFFFFFF0, v62  }
0x127: {  	v3 =	vor.u32 v3, v4  }
0x128: {  	v4 =	vperm.xlane v3, v0;
	_ =	sdelay $0x1  }
0x129: {  	v3 =	vperm.xlane v3, v2;
	v4 =	vadd.s32 v1, v4;
	_ =	sdelay $0x1  }
0x12a: {  	v3 =	vadd.s32 v1, v3;
	_ =	sdelay $0x2  }
0x12b: {  	[tilespmem:s4], [sflag:$0x1] =	stream.indirect_vreg.gather [hbm4b:s1+s5], $0x80, v4, vm0, $0xb8;
	[tilespmem:$0x11480] =	vst v63  }
0x12c: {  	_ = 	snop  }
0x12d: {  	[tilespmem:s16], [sflag:$0x1] =	stream.indirect_vreg.gather [hbm4b:s1+s5], $0x80, v3, vm0, $0xb8;
	[tilespmem:$0x11480] =	vst v63  }
0x12e: {  	v3 =	vld [tilespmem:s24+$0xB0];
	_ =	sdelay $0x4  }
0x12f: {  	v63 =	vshll.u32 v3, $0x1  }
0x130: {  	v3 =	vand.u32 $0x7, v3;
	v4 =	vand.u32 $0xFFFFFFF0, v63  }
0x131: {  	v3 =	vor.u32 v3, v4  }
0x132: {  	v4 =	vperm.xlane v3, v0;
	_ =	sdelay $0x1  }
0x133: {  	v3 =	vperm.xlane v3, v2;
	v4 =	vadd.s32 v1, v4;
	_ =	sdelay $0x1  }
0x134: {  	v3 =	vadd.s32 v1, v3  }
.Ltmp5:
0x135: {  	_ = 	snop;
	(pc) =	sbr.rel .LBB2_4-.Ltmp5, $4  }
0x136: {  	_ = 	snop  }
0x137: {  	[tilespmem:s17], [sflag:$0x1] =	stream.indirect_vreg.gather [hbm4b:s1+s5], $0x80, v4, vm0, $0xb8;
	[tilespmem:$0x11480] =	vst v63  }
0x138: {  	_ = 	snop  }
0x139: {  	[tilespmem:s18], [sflag:$0x1] =	stream.indirect_vreg.gather [hbm4b:s1+s5], $0x80, v3, vm0, $0xb8;
	[tilespmem:$0x11480] =	vst v63  }
.LBB2_5:
0x13a: {  	_ =	swait.ge [sflag:s22], $0x8000  }
.Ltmp6:
0x13b: {  	[sflag:s22] =	ssyncset.done $0x0;
	(pc) =	sbr.rel @p0 .LBB2_7-.Ltmp6, $4  }
0x13c: {  	[sflag:s22] =	ssyncadd.s32 $0xFFFF8000  }
0x13d: {  	_ =	swait.ge [sflag:s22], $0x8000  }
0x13e: {  	[sflag:s22] =	ssyncset.done $0x0  }
0x13f: {  	s25 =	rddreg [dreg:$0xa];
	[sflag:s22] =	ssyncadd.s32 $0xFFFF8000  }
0x140: {  	s24 =	rddreg [dreg:$0x6];
	s0 =	simm.s32 $0x1000;
	s11 =	simm.s32 $0x4  }
0x141: {  	[tilespmem:s0], [sflag:$0x4] =	stream.linear.gather [hbm4b:s24+s5], $0x400, $0x38;
	[tilespmem:$0x11480] =	vst v63  }
0x142: {  	_ =	swait.ge [sflag:s11], $0x400  }
0x143: {  	[sflag:s11] =	ssyncset.done $0x0  }
0x144: {  	[sflag:s11] =	ssyncadd.s32 $0xFFFFFC00  }
0x145: {  	v3 =	vld [tilespmem:$0xD00];
	_ =	sdelay $0x4  }
0x146: {  	v4 =	vshll.u32 v3, $0x1  }
0x147: {  	v3 =	vand.u32 $0x7, v3;
	v4 =	vand.u32 $0xFFFFFFF0, v4  }
0x148: {  	v3 =	vor.u32 v3, v4  }
0x149: {  	v4 =	vperm.xlane v3, v0;
	_ =	sdelay $0x1  }
0x14a: {  	v3 =	vperm.xlane v3, v2;
	v4 =	vadd.s32 v1, v4;
	_ =	sdelay $0x1  }
0x14b: {  	v3 =	vadd.s32 v1, v3;
	_ =	sdelay $0x2  }
0x14c: {  	[tilespmem:s15], [sflag:$0x1] =	stream.indirect_vreg.gather [hbm4b:s1+s5], $0x80, v4, vm0, $0xb8;
	[tilespmem:$0x11480] =	vst v63  }
0x14d: {  	s13 =	simm.s32 $0x1C00  }
0x14e: {  	[tilespmem:s13], [sflag:$0x1] =	stream.indirect_vreg.gather [hbm4b:s1+s5], $0x80, v3, vm0, $0xb8;
	[tilespmem:$0x11480] =	vst v63  }
0x14f: {  	v3 =	vld [tilespmem:$0xD10];
	_ =	sdelay $0x4  }
0x150: {  	v49 =	vshll.u32 v3, $0x1  }
0x151: {  	v3 =	vand.u32 $0x7, v3;
	v4 =	vand.u32 $0xFFFFFFF0, v49  }
0x152: {  	v3 =	vor.u32 v3, v4  }
0x153: {  	v4 =	vperm.xlane v3, v0;
	_ =	sdelay $0x1  }
0x154: {  	v3 =	vperm.xlane v3, v2;
	v4 =	vadd.s32 v1, v4;
	_ =	sdelay $0x1  }
0x155: {  	v3 =	vadd.s32 v1, v3;
	_ =	sdelay $0x1  }
0x156: {  	s26 =	simm.s32 $0x2400  }
0x157: {  	[tilespmem:s26], [sflag:$0x1] =	stream.indirect_vreg.gather [hbm4b:s1+s5], $0x80, v4, vm0, $0xb8;
	[tilespmem:$0x11480] =	vst v63  }
0x158: {  	s28 =	simm.s32 $0x2C00  }
0x159: {  	[tilespmem:s28], [sflag:$0x1] =	stream.indirect_vreg.gather [hbm4b:s1+s5], $0x80, v3, vm0, $0xb8;
	[tilespmem:$0x11480] =	vst v63  }
0x15a: {  	v3 =	vld [tilespmem:$0xD20];
	_ =	sdelay $0x4  }
0x15b: {  	v50 =	vshll.u32 v3, $0x1  }
0x15c: {  	v3 =	vand.u32 $0x7, v3;
	v4 =	vand.u32 $0xFFFFFFF0, v50  }
0x15d: {  	v3 =	vor.u32 v3, v4  }
0x15e: {  	v4 =	vperm.xlane v3, v0;
	_ =	sdelay $0x1  }
0x15f: {  	v3 =	vperm.xlane v3, v2;
	v4 =	vadd.s32 v1, v4;
	_ =	sdelay $0x1  }
0x160: {  	v3 =	vadd.s32 v1, v3;
	_ =	sdelay $0x1  }
0x161: {  	s29 =	simm.s32 $0x3400  }
0x162: {  	[tilespmem:s29], [sflag:$0x1] =	stream.indirect_vreg.gather [hbm4b:s1+s5], $0x80, v4, vm0, $0xb8;
	[tilespmem:$0x11480] =	vst v63  }
0x163: {  	s4 =	simm.s32 $0x3C00  }
0x164: {  	[tilespmem:s4], [sflag:$0x1] =	stream.indirect_vreg.gather [hbm4b:s1+s5], $0x80, v3, vm0, $0xb8;
	[tilespmem:$0x11480] =	vst v63  }
0x165: {  	v3 =	vld [tilespmem:$0xD30];
	_ =	sdelay $0x4  }
0x166: {  	v51 =	vshll.u32 v3, $0x1  }
0x167: {  	v3 =	vand.u32 $0x7, v3;
	v4 =	vand.u32 $0xFFFFFFF0, v51  }
0x168: {  	v3 =	vor.u32 v3, v4  }
0x169: {  	v4 =	vperm.xlane v3, v0;
	_ =	sdelay $0x1  }
0x16a: {  	v3 =	vperm.xlane v3, v2;
	v4 =	vadd.s32 v1, v4;
	_ =	sdelay $0x1  }
0x16b: {  	v3 =	vadd.s32 v1, v3;
	_ =	sdelay $0x1  }
0x16c: {  	s7 =	simm.s32 $0x4400  }
0x16d: {  	[tilespmem:s7], [sflag:$0x1] =	stream.indirect_vreg.gather [hbm4b:s1+s5], $0x80, v4, vm0, $0xb8;
	[tilespmem:$0x11480] =	vst v63  }
0x16e: {  	s9 =	simm.s32 $0x4C00  }
0x16f: {  	[tilespmem:s9], [sflag:$0x1] =	stream.indirect_vreg.gather [hbm4b:s1+s5], $0x80, v3, vm0, $0xb8;
	[tilespmem:$0x11480] =	vst v63  }
0x170: {  	v3 =	vld [tilespmem:$0xD40];
	_ =	sdelay $0x4  }
0x171: {  	v52 =	vshll.u32 v3, $0x1  }
0x172: {  	v3 =	vand.u32 $0x7, v3;
	v4 =	vand.u32 $0xFFFFFFF0, v52  }
0x173: {  	v3 =	vor.u32 v3, v4  }
0x174: {  	v4 =	vperm.xlane v3, v0;
	_ =	sdelay $0x1  }
0x175: {  	v3 =	vperm.xlane v3, v2;
	v4 =	vadd.s32 v1, v4;
	_ =	sdelay $0x1  }
0x176: {  	v3 =	vadd.s32 v1, v3;
	_ =	sdelay $0x1  }
0x177: {  	s10 =	simm.s32 $0x5400  }
0x178: {  	[tilespmem:s10], [sflag:$0x1] =	stream.indirect_vreg.gather [hbm4b:s1+s5], $0x80, v4, vm0, $0xb8;
	[tilespmem:$0x11480] =	vst v63  }
0x179: {  	s11 =	simm.s32 $0x5C00  }
0x17a: {  	[tilespmem:s11], [sflag:$0x1] =	stream.indirect_vreg.gather [hbm4b:s1+s5], $0x80, v3, vm0, $0xb8;
	[tilespmem:$0x11480] =	vst v63  }
0x17b: {  	v3 =	vld [tilespmem:$0xD50];
	_ =	sdelay $0x4  }
0x17c: {  	v53 =	vshll.u32 v3, $0x1  }
0x17d: {  	v3 =	vand.u32 $0x7, v3;
	v4 =	vand.u32 $0xFFFFFFF0, v53  }
0x17e: {  	v3 =	vor.u32 v3, v4  }
0x17f: {  	v4 =	vperm.xlane v3, v0;
	_ =	sdelay $0x1  }
0x180: {  	v3 =	vperm.xlane v3, v2;
	v4 =	vadd.s32 v1, v4;
	_ =	sdelay $0x1  }
0x181: {  	v3 =	vadd.s32 v1, v3;
	_ =	sdelay $0x1  }
0x182: {  	s14 =	simm.s32 $0x6400  }
0x183: {  	[tilespmem:s14], [sflag:$0x1] =	stream.indirect_vreg.gather [hbm4b:s1+s5], $0x80, v4, vm0, $0xb8;
	[tilespmem:$0x11480] =	vst v63  }
0x184: {  	s16 =	simm.s32 $0x6C00  }
0x185: {  	[tilespmem:s16], [sflag:$0x1] =	stream.indirect_vreg.gather [hbm4b:s1+s5], $0x80, v3, vm0, $0xb8;
	[tilespmem:$0x11480] =	vst v63  }
0x186: {  	v3 =	vld [tilespmem:$0xD60];
	_ =	sdelay $0x4  }
0x187: {  	v54 =	vshll.u32 v3, $0x1  }
0x188: {  	v3 =	vand.u32 $0x7, v3;
	v4 =	vand.u32 $0xFFFFFFF0, v54  }
0x189: {  	v3 =	vor.u32 v3, v4  }
0x18a: {  	v4 =	vperm.xlane v3, v0;
	_ =	sdelay $0x1  }
0x18b: {  	v3 =	vperm.xlane v3, v2;
	v4 =	vadd.s32 v1, v4;
	_ =	sdelay $0x1  }
0x18c: {  	v3 =	vadd.s32 v1, v3;
	_ =	sdelay $0x1  }
0x18d: {  	s17 =	simm.s32 $0x7400  }
0x18e: {  	[tilespmem:s17], [sflag:$0x1] =	stream.indirect_vreg.gather [hbm4b:s1+s5], $0x80, v4, vm0, $0xb8;
	[tilespmem:$0x11480] =	vst v63  }
0x18f: {  	s18 =	simm.s32 $0x7C00  }
0x190: {  	[tilespmem:s18], [sflag:$0x1] =	stream.indirect_vreg.gather [hbm4b:s1+s5], $0x80, v3, vm0, $0xb8;
	[tilespmem:$0x11480] =	vst v63  }
0x191: {  	v3 =	vld [tilespmem:$0xD70];
	_ =	sdelay $0x4  }
0x192: {  	v55 =	vshll.u32 v3, $0x1  }
0x193: {  	v3 =	vand.u32 $0x7, v3;
	v4 =	vand.u32 $0xFFFFFFF0, v55  }
0x194: {  	v3 =	vor.u32 v3, v4  }
0x195: {  	v4 =	vperm.xlane v3, v0;
	_ =	sdelay $0x1  }
0x196: {  	v3 =	vperm.xlane v3, v2;
	v4 =	vadd.s32 v1, v4;
	_ =	sdelay $0x1  }
0x197: {  	v3 =	vadd.s32 v1, v3;
	_ =	sdelay $0x1  }
0x198: {  	s3 =	simm.s32 $0x8400  }
0x199: {  	[tilespmem:s3], [sflag:$0x1] =	stream.indirect_vreg.gather [hbm4b:s1+s5], $0x80, v4, vm0, $0xb8;
	[tilespmem:$0x11480] =	vst v63  }
0x19a: {  	s24 =	simm.s32 $0x8C00  }
0x19b: {  	[tilespmem:s24], [sflag:$0x1] =	stream.indirect_vreg.gather [hbm4b:s1+s5], $0x80, v3, vm0, $0xb8;
	[tilespmem:$0x11480] =	vst v63  }
0x19c: {  	_ =	swait.ge [sflag:s21], $0x8000  }
0x19d: {  	[sflag:s21] =	ssyncset.done $0x0  }
0x19e: {  	[sflag:s21] =	ssyncadd.s32 $0xFFFF8000  }
0x19f: {  	v3 =	vld [tilespmem:$0x1100];
	_ =	sdelay $0x4  }
0x1a0: {  	v56 =	vshll.u32 v3, $0x1  }
0x1a1: {  	v3 =	vand.u32 $0x7, v3;
	v4 =	vand.u32 $0xFFFFFFF0, v56  }
0x1a2: {  	v3 =	vor.u32 v3, v4  }
0x1a3: {  	v4 =	vperm.xlane v3, v0;
	_ =	sdelay $0x1  }
0x1a4: {  	v3 =	vperm.xlane v3, v2;
	v4 =	vadd.s32 v1, v4;
	_ =	sdelay $0x1  }
0x1a5: {  	v3 =	vadd.s32 v1, v3;
	_ =	sdelay $0x1  }
0x1a6: {  	s24 =	rddreg [dreg:$0x3]  }
0x1a7: {  	[hbm4b:s24+s5] =	stream.indirect_vreg.scatter [tilespmem:s15], [sflag:$0x1], $0x80, v4, vm0, $0xb8;
	[tilespmem:$0x11480] =	vst v63  }
0x1a8: {  	_ = 	snop  }
0x1a9: {  	[hbm4b:s24+s5] =	stream.indirect_vreg.scatter [tilespmem:s13], [sflag:$0x1], $0x80, v3, vm0, $0xb8;
	[tilespmem:$0x11480] =	vst v63  }
0x1aa: {  	v3 =	vld [tilespmem:$0x1110];
	_ =	sdelay $0x4  }
0x1ab: {  	v57 =	vshll.u32 v3, $0x1  }
0x1ac: {  	v3 =	vand.u32 $0x7, v3;
	v4 =	vand.u32 $0xFFFFFFF0, v57  }
0x1ad: {  	v3 =	vor.u32 v3, v4  }
0x1ae: {  	v4 =	vperm.xlane v3, v0;
	_ =	sdelay $0x1  }
0x1af: {  	v3 =	vperm.xlane v3, v2;
	v4 =	vadd.s32 v1, v4;
	_ =	sdelay $0x1  }
0x1b0: {  	v3 =	vadd.s32 v1, v3;
	_ =	sdelay $0x2  }
0x1b1: {  	[hbm4b:s24+s5] =	stream.indirect_vreg.scatter [tilespmem:s26], [sflag:$0x1], $0x80, v4, vm0, $0xb8;
	[tilespmem:$0x11480] =	vst v63  }
0x1b2: {  	_ = 	snop  }
0x1b3: {  	[hbm4b:s24+s5] =	stream.indirect_vreg.scatter [tilespmem:s28], [sflag:$0x1], $0x80, v3, vm0, $0xb8;
	[tilespmem:$0x11480] =	vst v63  }
0x1b4: {  	v3 =	vld [tilespmem:$0x1120];
	_ =	sdelay $0x4  }
0x1b5: {  	v58 =	vshll.u32 v3, $0x1  }
0x1b6: {  	v3 =	vand.u32 $0x7, v3;
	v4 =	vand.u32 $0xFFFFFFF0, v58  }
0x1b7: {  	v3 =	vor.u32 v3, v4  }
0x1b8: {  	v4 =	vperm.xlane v3, v0;
	_ =	sdelay $0x1  }
0x1b9: {  	v3 =	vperm.xlane v3, v2;
	v4 =	vadd.s32 v1, v4;
	_ =	sdelay $0x1  }
0x1ba: {  	v3 =	vadd.s32 v1, v3;
	_ =	sdelay $0x2  }
0x1bb: {  	[hbm4b:s24+s5] =	stream.indirect_vreg.scatter [tilespmem:s29], [sflag:$0x1], $0x80, v4, vm0, $0xb8;
	[tilespmem:$0x11480] =	vst v63  }
0x1bc: {  	_ = 	snop  }
0x1bd: {  	[hbm4b:s24+s5] =	stream.indirect_vreg.scatter [tilespmem:s4], [sflag:$0x1], $0x80, v3, vm0, $0xb8;
	[tilespmem:$0x11480] =	vst v63  }
0x1be: {  	v3 =	vld [tilespmem:$0x1130];
	_ =	sdelay $0x4  }
0x1bf: {  	v59 =	vshll.u32 v3, $0x1  }
0x1c0: {  	v3 =	vand.u32 $0x7, v3;
	v4 =	vand.u32 $0xFFFFFFF0, v59  }
0x1c1: {  	v3 =	vor.u32 v3, v4  }
0x1c2: {  	v4 =	vperm.xlane v3, v0;
	_ =	sdelay $0x1  }
0x1c3: {  	v3 =	vperm.xlane v3, v2;
	v4 =	vadd.s32 v1, v4;
	_ =	sdelay $0x1  }
0x1c4: {  	v3 =	vadd.s32 v1, v3;
	_ =	sdelay $0x2  }
0x1c5: {  	[hbm4b:s24+s5] =	stream.indirect_vreg.scatter [tilespmem:s7], [sflag:$0x1], $0x80, v4, vm0, $0xb8;
	[tilespmem:$0x11480] =	vst v63  }
0x1c6: {  	_ = 	snop  }
0x1c7: {  	[hbm4b:s24+s5] =	stream.indirect_vreg.scatter [tilespmem:s9], [sflag:$0x1], $0x80, v3, vm0, $0xb8;
	[tilespmem:$0x11480] =	vst v63  }
0x1c8: {  	v3 =	vld [tilespmem:$0x1140];
	_ =	sdelay $0x4  }
0x1c9: {  	v60 =	vshll.u32 v3, $0x1  }
0x1ca: {  	v3 =	vand.u32 $0x7, v3;
	v4 =	vand.u32 $0xFFFFFFF0, v60  }
0x1cb: {  	v3 =	vor.u32 v3, v4  }
0x1cc: {  	v4 =	vperm.xlane v3, v0;
	_ =	sdelay $0x1  }
0x1cd: {  	v3 =	vperm.xlane v3, v2;
	v4 =	vadd.s32 v1, v4;
	_ =	sdelay $0x1  }
0x1ce: {  	v3 =	vadd.s32 v1, v3;
	_ =	sdelay $0x2  }
0x1cf: {  	[hbm4b:s24+s5] =	stream.indirect_vreg.scatter [tilespmem:s10], [sflag:$0x1], $0x80, v4, vm0, $0xb8;
	[tilespmem:$0x11480] =	vst v63  }
0x1d0: {  	_ = 	snop  }
0x1d1: {  	[hbm4b:s24+s5] =	stream.indirect_vreg.scatter [tilespmem:s11], [sflag:$0x1], $0x80, v3, vm0, $0xb8;
	[tilespmem:$0x11480] =	vst v63  }
0x1d2: {  	v3 =	vld [tilespmem:$0x1150];
	_ =	sdelay $0x4  }
0x1d3: {  	v61 =	vshll.u32 v3, $0x1  }
0x1d4: {  	v3 =	vand.u32 $0x7, v3;
	v4 =	vand.u32 $0xFFFFFFF0, v61  }
0x1d5: {  	v3 =	vor.u32 v3, v4  }
0x1d6: {  	v4 =	vperm.xlane v3, v0;
	_ =	sdelay $0x1  }
0x1d7: {  	v3 =	vperm.xlane v3, v2;
	v4 =	vadd.s32 v1, v4;
	_ =	sdelay $0x1  }
0x1d8: {  	v3 =	vadd.s32 v1, v3;
	_ =	sdelay $0x2  }
0x1d9: {  	[hbm4b:s24+s5] =	stream.indirect_vreg.scatter [tilespmem:s14], [sflag:$0x1], $0x80, v4, vm0, $0xb8;
	[tilespmem:$0x11480] =	vst v63  }
0x1da: {  	_ = 	snop  }
0x1db: {  	[hbm4b:s24+s5] =	stream.indirect_vreg.scatter [tilespmem:s16], [sflag:$0x1], $0x80, v3, vm0, $0xb8;
	[tilespmem:$0x11480] =	vst v63  }
0x1dc: {  	v3 =	vld [tilespmem:$0x1160];
	_ =	sdelay $0x4  }
0x1dd: {  	v62 =	vshll.u32 v3, $0x1  }
0x1de: {  	v3 =	vand.u32 $0x7, v3;
	v4 =	vand.u32 $0xFFFFFFF0, v62  }
0x1df: {  	v3 =	vor.u32 v3, v4  }
0x1e0: {  	v4 =	vperm.xlane v3, v0;
	_ =	sdelay $0x1  }
0x1e1: {  	v3 =	vperm.xlane v3, v2;
	v4 =	vadd.s32 v1, v4;
	_ =	sdelay $0x1  }
0x1e2: {  	v3 =	vadd.s32 v1, v3;
	_ =	sdelay $0x2  }
0x1e3: {  	[hbm4b:s24+s5] =	stream.indirect_vreg.scatter [tilespmem:s17], [sflag:$0x1], $0x80, v4, vm0, $0xb8;
	[tilespmem:$0x11480] =	vst v63  }
0x1e4: {  	_ = 	snop  }
0x1e5: {  	[hbm4b:s24+s5] =	stream.indirect_vreg.scatter [tilespmem:s18], [sflag:$0x1], $0x80, v3, vm0, $0xb8;
	[tilespmem:$0x11480] =	vst v63  }
0x1e6: {  	v3 =	vld [tilespmem:$0x1170];
	_ =	sdelay $0x4  }
0x1e7: {  	v63 =	vshll.u32 v3, $0x1  }
0x1e8: {  	v3 =	vand.u32 $0x7, v3;
	v4 =	vand.u32 $0xFFFFFFF0, v63  }
0x1e9: {  	v3 =	vor.u32 v3, v4  }
0x1ea: {  	v4 =	vperm.xlane v3, v0;
	_ =	sdelay $0x1  }
0x1eb: {  	v3 =	vperm.xlane v3, v2;
	v4 =	vadd.s32 v1, v4;
	_ =	sdelay $0x1  }
0x1ec: {  	s30 =	simm.s32 $0x1C00;
	s31 =	simm.s32 $0x2400;
	s8 =	simm.s32 $0x4400;
	v3 =	vadd.s32 v1, v3  }
0x1ed: {  	s0 =	simm.s32 $0x2C00;
	s3 =	simm.s32 $0x3400;
	s13 =	simm.s32 $0x3C00  }
0x1ee: {  	s28 =	simm.s32 $0x8400;
	s29 =	simm.s32 $0x8C00;
	s4 =	simm.s32 $0x7400  }
0x1ef: {  	[hbm4b:s24+s5] =	stream.indirect_vreg.scatter [tilespmem:s28], [sflag:$0x1], $0x80, v4, vm0, $0xb8;
	[tilespmem:$0x11480] =	vst v63  }
.Ltmp7:
0x1f0: {  	s7 =	simm.s32 $0x4C00;
	s9 =	simm.s32 $0x5400;
	(pc) =	sbr.rel .LBB2_7-.Ltmp7, $4  }
0x1f1: {  	[hbm4b:s24+s5] =	stream.indirect_vreg.scatter [tilespmem:s29], [sflag:$0x1], $0x80, v3, vm0, $0xb8;
	[tilespmem:$0x11480] =	vst v63  }
0x1f2: {  	s10 =	simm.s32 $0x5C00;
	s11 =	simm.s32 $0x6400;
	_ =	swait.ge [sflag:s21], $0x8000  }
0x1f3: {  	s14 =	simm.s32 $0x6C00;
	s16 =	simm.s32 $0x7C00;
	[sflag:s21] =	ssyncset.done $0x0  }
0x1f4: {  	s17 =	simm.s32 $0x8400;
	s18 =	simm.s32 $0x8C00;
	[sflag:s21] =	ssyncadd.s32 $0xFFFF8000  }
.LBB2_8:
0x1f5: {  	_ =	sfence.sel $0x180000  }
0x1f6: {  	[bflag:$0x0] =	sbarrier.arrive $0xFFFF  }
0x1f7: {  	_ =	strace $0x90000047  }
0x1f8: {  	s0 =	stileid.u32;
	[bflag:$0x2] =	sbarrier.arrive $0xFFFF  }
0x1f9: {  	p0 =	sne.s32 s0, $0x0;
	s0 =	rddreg [dreg:$0x4]  }
0x1fa: {  	s0 =	sadd.s32 @!p0 $0x100000, s0  }
0x1fb: {  	[sflag:s0] =	ssyncadd.tile.s32 @!p0 $0x1;
	_ =	shalt  }
.Lfunc_end2:
_tile_overlayer_lowered:
.L_overlay_start_2:
0x1fc: {  	(tag) =	ssettag $0x2  }
0x1fd: {  	s0 =	rddreg [dreg:$0x0];
	s2 =	stileid.u32  }
0x1fe: {  	s1 =	rddreg [dreg:$0x1];
	p0 =	sne.s32 s2, $0x0  }
0x1ff: {  	s3 =	rddreg [dreg:$0x2];
	[bflag:$0x3] =	sbarrier.arrive $0xFFFF;
	s2 =	simm.s32 @!p0 $0x1C04  }
0x200: {  	[timem:s3], [sflag:s2] =	dma.local @!p0 [hbm:s0], s1  }
0x201: {  	s0 =	simm.s32 @!p0 $0x4  }
0x202: {  	_ =	swait.ge @!p0 [sflag:s0], s1  }
0x203: {  	s1 =	ssub.s32 @!p0 $0x0, s1;
	[sflag:s0] =	ssyncset.done @!p0 $0x0  }
0x204: {  	[sflag:s0] =	ssyncadd.s32 @!p0 s1  }
0x205: {  	[bflag:$0x3] =	sbarrier.arrive $0xFFFF  }
0x206: {  	_ =	shalt  }

</sc_bundles>
